<compile_context>
chip_gen: v7x
topology: tpu7x:2x2x1
jax: 0.10.2.dev20260603
libtpu: 0.0.44.dev20260713+nightly
codegen_flags: <defaults>
</compile_context>

<pallas_src>
import functools

import jax
import jax.numpy as jnp
from jax import lax
from jax.experimental import pallas as pl
from jax.experimental.pallas import tpu as pltpu
from jax.experimental.pallas import tpu_sc as plsc

LANES = 16
NW = 32


def _tc_pack_table(V3):
    D = V3.shape[0]
    H = V3.shape[2]
    RB = 2048
    grid = (H + RB - 1) // RB

    def body(a_ref, o_ref):
        o_ref[:, 0:D] = a_ref[:, 0, :].T
        o_ref[:, D:2 * D] = a_ref[:, 1, :].T

    return pl.pallas_call(
        body,
        grid=(grid,),
        in_specs=[pl.BlockSpec((D, 2, RB), lambda i: (0, 0, i))],
        out_specs=pl.BlockSpec((RB, 2 * D), lambda i: (i, 0)),
        out_shape=jax.ShapeDtypeStruct((H, 2 * D), jnp.float32),
    )(V3)


def _sc_scores(T, u_all, idx_all, n_pairs, bpw):
    D = 64
    K = n_pairs - 1
    G = bpw // LANES
    neg_per_group = K * LANES
    rows_per_group = n_pairs * LANES
    urows_g = LANES * D // 128
    orows_w = n_pairs * bpw // 128

    mesh = plsc.VectorSubcoreMesh(core_axis_name="c", subcore_axis_name="s")

    @functools.partial(
        pl.kernel,
        mesh=mesh,
        compiler_params=pltpu.CompilerParams(
            needs_layout_passes=False, use_tc_tiling_on_sc=False
        ),
        out_type=jax.ShapeDtypeStruct((NW * orows_w, 128), jnp.float32),
        scratch_types=[
            pltpu.VMEM((G * 6, 128), jnp.int32),
            pltpu.VMEM((urows_g, 128), jnp.float32),
            pltpu.VMEM((rows_per_group, 128), jnp.float32),
            pltpu.VMEM((orows_w, 128), jnp.float32),
            pltpu.SemaphoreType.DMA,
        ],
    )
    def k(T_hbm, u_hbm, idx_hbm, out_hbm, idx_v, u_v, rows_v, sc_v, sem):
        wid = lax.axis_index("s") * 2 + lax.axis_index("c")
        pltpu.sync_copy(idx_hbm.at[pl.ds(wid * (G * 6), G * 6), :], idx_v)
        iota = lax.iota(jnp.int32, LANES)
        iota_k = iota * K
        urow = iota // 2
        ucolb = (iota & 1) * D

        def issue(g, sem):
            pltpu.async_copy(
                T_hbm.at[idx_v.at[6 * g]], rows_v.at[pl.ds(0, 128)], sem
            )
            pltpu.async_copy(
                T_hbm.at[idx_v.at[6 * g + 1]], rows_v.at[pl.ds(128, 128)], sem
            )
            pltpu.async_copy(
                T_hbm.at[idx_v.at[6 * g + 2, pl.ds(0, 80)]],
                rows_v.at[pl.ds(256, 80)],
                sem,
            )
            pltpu.async_copy(
                u_hbm.at[pl.ds(wid * (G * urows_g) + g * urows_g, urows_g), :],
                u_v,
                sem,
            )

        def drain(sem):
            for rng in ((0, 128), (128, 128), (256, 80)):
                pltpu.make_async_copy(
                    T_hbm.at[pl.ds(0, rng[1])],
                    rows_v.at[pl.ds(rng[0], rng[1])],
                    sem,
                ).wait()
            pltpu.make_async_copy(
                u_hbm.at[pl.ds(0, urows_g), :], u_v, sem
            ).wait()

        def compute(g):
            pslot = 320 + iota
            par_pos = plsc.load_gather(
                idx_v, [(6 * g + 3) + (pslot >> 7), pslot & 127]
            )
            par_negs = []
            for j in range(1, n_pairs):
                nslot = iota_k + (j - 1)
                par_negs.append(
                    plsc.load_gather(
                        idx_v, [(6 * g + 3) + (nslot >> 7), nslot & 127]
                    )
                )

            def d_body(d, accs):
                dcol = (iota + d) & (D - 1)
                ud = plsc.load_gather(u_v, [urow, ucolb + dcol])
                pos_r = plsc.load_gather(
                    rows_v, [320 + iota, par_pos + dcol]
                )
                neg_rs = [
                    plsc.load_gather(
                        rows_v, [iota_k + (j - 1), par_negs[j - 1] + dcol]
                    )
                    for j in range(1, n_pairs)
                ]
                return (accs[0] + ud * pos_r,) + tuple(
                    accs[j] + ud * neg_rs[j - 1] for j in range(1, n_pairs)
                )

            zero = jnp.zeros((LANES,), jnp.float32)
            accs = lax.fori_loop(
                0, D, d_body, tuple(zero for _ in range(n_pairs))
            )
            orow = g // 8
            ocol = (g & 7) * LANES
            sc_v[orow, pl.ds(ocol, LANES)] = accs[0]
            for j in range(1, n_pairs):
                sc_v[4 * j + orow, pl.ds(ocol, LANES)] = -accs[j]

        def body(g, carry):
            issue(g, sem)
            drain(sem)
            compute(g)
            return carry

        lax.fori_loop(0, G, body, 0)
        pltpu.sync_copy(sc_v, out_hbm.at[pl.ds(wid * orows_w, orows_w), :])

    return k(T, u_all, idx_all)


def _tc_logsig_sum(scores2d):

    def body(x_ref, o_ref):
        x = x_ref[...]
        ls = jnp.minimum(x, 0.0) - jnp.log(1.0 + jnp.exp(-jnp.abs(x)))
        o_ref[...] = (-jnp.sum(ls)).reshape(1, 1)

    out = pl.pallas_call(
        body,
        out_shape=jax.ShapeDtypeStruct((1, 1), jnp.float32),
    )(scores2d)
    return out[0, 0]


def kernel(pos_u, pos_v, neg_v, V):
    B, D = pos_u.shape
    K = neg_v.shape[1]
    n_pairs = K + 1
    bpw = B // NW
    G = bpw // LANES
    VOC = V.shape[0]
    H = VOC // 2

    pos_i = pos_v.astype(jnp.int32)
    neg_i = neg_v.astype(jnp.int32)
    pos_h = jnp.where(pos_i >= H, pos_i - H, pos_i)
    neg_h = jnp.where(neg_i >= H, neg_i - H, neg_i)
    pos_p = jnp.where(pos_i >= H, D, 0)
    neg_p = jnp.where(neg_i >= H, D, 0)

    def blocks(neg, pos):
        return jnp.concatenate(
            [
                neg.reshape(NW, G, LANES * K),
                pos.reshape(NW, G, LANES),
                jnp.zeros((NW, G, 48), jnp.int32),
            ],
            axis=-1,
        ).reshape(NW, G, 3, 128)

    idx_all = jnp.concatenate(
        [blocks(neg_h, pos_h), blocks(neg_p, pos_p)], axis=2
    ).reshape(NW * G * 6, 128)
    u_all = pos_u.reshape(B * D // 128, 128)

    T = _tc_pack_table(V.T.reshape(D, 2, H))
    scores = _sc_scores(T, u_all, idx_all, n_pairs, bpw)
    return _tc_logsig_sum(scores)

# --- scband reference (transcript-rebuilt; emitter-appended) ---
"""Pipeline reference for scband-skip-gram-v-59382217835193 (READ-ONLY COPY).

The authoritative reference and input builder live on the scoring server;
editing this copy changes nothing except your own understanding.
"""

import jax, jax.numpy as jnp
import numpy as np

VOCAB = 1000000
DIM = 64
BATCH = 16384
NEG = 20

def setup_inputs(seed: int = 0) -> dict:
    key = jax.random.key(seed)
    k1, k2, k3, k4 = jax.random.split(key, 4)
    pos_u = jax.random.normal(k1, (BATCH, DIM), dtype=jnp.float32)
    pos_v = jax.random.randint(k2, (BATCH,), 0, VOCAB, dtype=jnp.int64)
    neg_v = jax.random.randint(k3, (BATCH, NEG), 0, VOCAB, dtype=jnp.int64)
    # Original code initializes v_embeddings to zeros (uniform_(-0, 0)); we use
    # small random values instead so the computation and gradients are non-degenerate.
    init_range = 0.5 / DIM
    V = jax.random.uniform(k4, (VOCAB, DIM), dtype=jnp.float32, minval=-init_range, maxval=init_range)
    return {"pos_u": pos_u, "pos_v": pos_v, "neg_v": neg_v, "V": V}

def reference(pos_u, pos_v, neg_v, V):
    # emb_v = self.v_embeddings(pos_v)
    emb_v = jnp.take(V, pos_v, axis=0)                      # [B, D]
    # score = torch.mul(pos_u, emb_v).squeeze(); sum(dim=1); logsigmoid
    score = jnp.sum(pos_u * emb_v, axis=1)                  # [B]
    score = jax.nn.log_sigmoid(score)                       # [B]
    # neg_emb_v = self.v_embeddings(neg_v)
    neg_emb_v = jnp.take(V, neg_v, axis=0)                  # [B, K, D]
    # torch.bmm(neg_emb_v, emb_u.unsqueeze(2)).squeeze()  (emb_u == pos_u here;
    # the original snippet has a typo referencing undefined emb_u)
    neg_score = jnp.einsum('bkd,bd->bk', neg_emb_v, pos_u)  # [B, K]
    neg_score = jax.nn.log_sigmoid(-1.0 * neg_score)        # [B, K]
    return -1.0 * (jnp.sum(score) + jnp.sum(neg_score))

if __name__ == "__main__":
    import jax
    _d = setup_inputs()
    print(jax.jit(kernel)(*tuple(_d.values())))

</pallas_src>

<mosaic_0001>
#map = affine_map<(d0, d1) -> (0, 0)>
module attributes {stable_mosaic.version = 14 : i64} {
  func.func @k(%arg0: i32, %arg1: i32, %arg2: memref<500000x128xf32, #tpu.memory_space<hbm>>, %arg3: memref<8192x128xf32, #tpu.memory_space<hbm>>, %arg4: memref<6144x128xi32, #tpu.memory_space<hbm>>, %arg5: memref<2688x128xf32, #tpu.memory_space<hbm>>, %arg6: memref<192x128xi32, #tpu.memory_space<vmem>>, %arg7: memref<8x128xf32, #tpu.memory_space<vmem>>, %arg8: memref<336x128xf32, #tpu.memory_space<vmem>>, %arg9: memref<84x128xf32, #tpu.memory_space<vmem>>, %arg10: memref<!tpu.dma_semaphore, #tpu.memory_space<semaphore_mem>>) attributes {dimension_semantics = [#tpu.dimension_semantics<core_parallel>, #tpu.dimension_semantics<subcore_parallel>], iteration_bounds = array<i64: 2, 16>, scalar_prefetch = 0 : i64, scratch_operands = 5 : i64, tpu.core_type = #tpu.core_type<sc_vector_subcore>, window_params = [{transform_indices = #map}, {transform_indices = #map}, {transform_indices = #map}, {transform_indices = #map}]} {
    %mul3A = arith.constant 2 : i32
    %mul3A_0 = arith.muli %arg1, %mul3A : i32
    %add3A = arith.addi %mul3A_0, %arg0 : i32
    %mul3A_1 = arith.constant 192 : i32
    %mul3A_2 = arith.muli %add3A, %mul3A_1 : i32
    "tpu.region"() ({
      %run_scoped3A = tpu.sem_alloc : memref<!tpu.dma_semaphore, #tpu.memory_space<semaphore_mem>>
      %dma_start3A = arith.constant 0 : i32
      %dma_start3A_42 = tpu.memref_slice %arg4[%mul3A_2, %dma_start3A] : memref<6144x128xi32, #tpu.memory_space<hbm>> -> memref<192x128xi32, #tpu.memory_space<hbm>>
      %dma_start3A_43 = arith.constant 0 : i32
      %dma_start3A_44 = tpu.memref_slice %arg4[%mul3A_2, %dma_start3A_43] : memref<6144x128xi32, #tpu.memory_space<hbm>> -> memref<192x128xi32, #tpu.memory_space<hbm>>
      tpu.enqueue_dma source(%dma_start3A_44 : memref<192x128xi32, #tpu.memory_space<hbm>>) target(%arg6 : memref<192x128xi32, #tpu.memory_space<vmem>>) target_semaphore(%run_scoped3A : memref<!tpu.dma_semaphore, #tpu.memory_space<semaphore_mem>>)
      %dma_wait3A = arith.constant 0 : i32
      %dma_wait3A_45 = tpu.memref_slice %arg4[%mul3A_2, %dma_wait3A] : memref<6144x128xi32, #tpu.memory_space<hbm>> -> memref<192x128xi32, #tpu.memory_space<hbm>>
      %dma_wait3A_46 = arith.constant 0 : i32
      %dma_wait3A_47 = tpu.memref_slice %arg4[%mul3A_2, %dma_wait3A_46] : memref<6144x128xi32, #tpu.memory_space<hbm>> -> memref<192x128xi32, #tpu.memory_space<hbm>>
      tpu.wait_dma2 semaphore(%run_scoped3A : memref<!tpu.dma_semaphore, #tpu.memory_space<semaphore_mem>>) src(%dma_wait3A_47 : memref<192x128xi32, #tpu.memory_space<hbm>>) dst(%arg6 : memref<192x128xi32, #tpu.memory_space<vmem>>)
      tpu.yield
    }) : () -> ()
    %iota3A = tpu.iota {dimensions = array<i32: 0>} : vector<16xi32>
    %mul3A_3 = arith.constant 20 : i32
    %mul3A_4 = vector.broadcast %mul3A_3 : i32 to vector<16xi32>
    %mul3A_5 = arith.muli %iota3A, %mul3A_4 : vector<16xi32>
    %jit3A = arith.constant 2 : i32
    %div3A = vector.broadcast %jit3A : i32 to vector<16xi32>
    %div3A_6 = arith.divsi %iota3A, %div3A : vector<16xi32>
    %sign3A = arith.constant 0 : i32
    %sign3A_7 = vector.broadcast %sign3A : i32 to vector<16xi32>
    %sign3A_8 = arith.cmpi sgt, %iota3A, %sign3A_7 : vector<16xi32>
    %sign3A_9 = arith.extui %sign3A_8 : vector<16xi1> to vector<16xi32>
    %sign3A_10 = arith.constant 0 : i32
    %sign3A_11 = vector.broadcast %sign3A_10 : i32 to vector<16xi32>
    %sign3A_12 = arith.cmpi slt, %iota3A, %sign3A_11 : vector<16xi32>
    %sign3A_13 = arith.extui %sign3A_12 : vector<16xi1> to vector<16xi32>
    %sign3A_14 = arith.subi %sign3A_9, %sign3A_13 : vector<16xi32>
    %sign3A_15 = arith.constant 0 : i32
    %sign3A_16 = arith.cmpi sgt, %jit3A, %sign3A_15 : i32
    %sign3A_17 = arith.extui %sign3A_16 : i1 to i32
    %sign3A_18 = arith.constant 0 : i32
    %sign3A_19 = arith.cmpi slt, %jit3A, %sign3A_18 : i32
    %sign3A_20 = arith.extui %sign3A_19 : i1 to i32
    %sign3A_21 = arith.subi %sign3A_17, %sign3A_20 : i32
    %ne3A = vector.broadcast %sign3A_21 : i32 to vector<16xi32>
    %ne3A_22 = arith.cmpi ne, %sign3A_14, %ne3A : vector<16xi32>
    %rem3A = vector.broadcast %jit3A : i32 to vector<16xi32>
    %rem3A_23 = arith.remsi %iota3A, %rem3A : vector<16xi32>
    %ne3A_24 = arith.constant 0 : i32
    %ne3A_25 = vector.broadcast %ne3A_24 : i32 to vector<16xi32>
    %ne3A_26 = arith.cmpi ne, %rem3A_23, %ne3A_25 : vector<16xi32>
    %and3A = arith.andi %ne3A_22, %ne3A_26 : vector<16xi1>
    %sub3A = arith.constant 1 : i32
    %sub3A_27 = vector.broadcast %sub3A : i32 to vector<16xi32>
    %sub3A_28 = arith.subi %div3A_6, %sub3A_27 : vector<16xi32>
    %select_n3A = arith.select %and3A, %sub3A_28, %div3A_6 : vector<16xi1>, vector<16xi32>
    %and3A_29 = arith.constant 1 : i32
    %and3A_30 = vector.broadcast %and3A_29 : i32 to vector<16xi32>
    %and3A_31 = arith.andi %iota3A, %and3A_30 : vector<16xi32>
    %mul3A_32 = arith.constant 64 : i32
    %mul3A_33 = vector.broadcast %mul3A_32 : i32 to vector<16xi32>
    %mul3A_34 = arith.muli %and3A_31, %mul3A_33 : vector<16xi32>
    %scan3A = arith.constant 0 : i32
    %scan3A_35 = arith.constant 0 : i32
    %scan3A_36 = arith.constant 32 : i32
    %scan3A_37 = arith.addi %scan3A_35, %scan3A_36 : i32
    %scan3A_38 = arith.constant 1 : i32
    scf.for %scan3A_42 = %scan3A_35 to %scan3A_37 step %scan3A_38  : i32 {
      %mul3A_43 = arith.constant 6 : i32
      %mul3A_44 = arith.muli %mul3A_43, %scan3A_42 : i32
      %dma_start3A = arith.constant 0 : i32
      %dma_start3A_45 = arith.constant 0 : i32
      %dma_start3A_46 = tpu.memref_slice %arg8[%dma_start3A, %dma_start3A_45] : memref<336x128xf32, #tpu.memory_space<vmem>> -> memref<128x128xf32, #tpu.memory_space<vmem>>
      %dma_start3A_47 = arith.constant 0 : i32
      %dma_start3A_48 = tpu.memref_slice %arg6[%mul3A_44, %dma_start3A_47] : memref<192x128xi32, #tpu.memory_space<vmem>> -> memref<1x128xi32, #tpu.memory_space<vmem>>
      %dma_start3A_49 = tpu.memref_squeeze %dma_start3A_48 : memref<1x128xi32, #tpu.memory_space<vmem>> -> memref<128xi32, #tpu.memory_space<vmem>>
      %dma_start3A_50 = arith.constant 0 : i32
      %dma_start3A_51 = arith.constant 0 : i32
      %dma_start3A_52 = tpu.memref_slice %arg2[%dma_start3A_50, %dma_start3A_51] : memref<500000x128xf32, #tpu.memory_space<hbm>> -> memref<500000x128xf32, #tpu.memory_space<hbm>>
      tpu.enqueue_indirect_dma source(%dma_start3A_52 : memref<500000x128xf32, #tpu.memory_space<hbm>>) target(%dma_start3A_46 : memref<128x128xf32, #tpu.memory_space<vmem>>) offsets(%dma_start3A_49 : memref<128xi32, #tpu.memory_space<vmem>>) semaphore(%arg10 : memref<!tpu.dma_semaphore, #tpu.memory_space<semaphore_mem>>)
      %mul3A_53 = arith.constant 6 : i32
      %mul3A_54 = arith.muli %mul3A_53, %scan3A_42 : i32
      %add3A_55 = arith.constant 1 : i32
      %add3A_56 = arith.addi %mul3A_54, %add3A_55 : i32
      %dma_start3A_57 = arith.constant 128 : i32
      %dma_start3A_58 = arith.constant 0 : i32
      %dma_start3A_59 = tpu.memref_slice %arg8[%dma_start3A_57, %dma_start3A_58] : memref<336x128xf32, #tpu.memory_space<vmem>> -> memref<128x128xf32, #tpu.memory_space<vmem>>
      %dma_start3A_60 = arith.constant 0 : i32
      %dma_start3A_61 = tpu.memref_slice %arg6[%add3A_56, %dma_start3A_60] : memref<192x128xi32, #tpu.memory_space<vmem>> -> memref<1x128xi32, #tpu.memory_space<vmem>>
      %dma_start3A_62 = tpu.memref_squeeze %dma_start3A_61 : memref<1x128xi32, #tpu.memory_space<vmem>> -> memref<128xi32, #tpu.memory_space<vmem>>
      %dma_start3A_63 = arith.constant 0 : i32
      %dma_start3A_64 = arith.constant 0 : i32
      %dma_start3A_65 = tpu.memref_slice %arg2[%dma_start3A_63, %dma_start3A_64] : memref<500000x128xf32, #tpu.memory_space<hbm>> -> memref<500000x128xf32, #tpu.memory_space<hbm>>
      tpu.enqueue_indirect_dma source(%dma_start3A_65 : memref<500000x128xf32, #tpu.memory_space<hbm>>) target(%dma_start3A_59 : memref<128x128xf32, #tpu.memory_space<vmem>>) offsets(%dma_start3A_62 : memref<128xi32, #tpu.memory_space<vmem>>) semaphore(%arg10 : memref<!tpu.dma_semaphore, #tpu.memory_space<semaphore_mem>>)
      %mul3A_66 = arith.constant 6 : i32
      %mul3A_67 = arith.muli %mul3A_66, %scan3A_42 : i32
      %add3A_68 = arith.constant 2 : i32
      %add3A_69 = arith.addi %mul3A_67, %add3A_68 : i32
      %dma_start3A_70 = arith.constant 256 : i32
      %dma_start3A_71 = arith.constant 0 : i32
      %dma_start3A_72 = tpu.memref_slice %arg8[%dma_start3A_70, %dma_start3A_71] : memref<336x128xf32, #tpu.memory_space<vmem>> -> memref<80x128xf32, #tpu.memory_space<vmem>>
      %dma_start3A_73 = arith.constant 0 : i32
      %dma_start3A_74 = tpu.memref_slice %arg6[%add3A_69, %dma_start3A_73] : memref<192x128xi32, #tpu.memory_space<vmem>> -> memref<1x80xi32, #tpu.memory_space<vmem>>
      %dma_start3A_75 = tpu.memref_squeeze %dma_start3A_74 : memref<1x80xi32, #tpu.memory_space<vmem>> -> memref<80xi32, #tpu.memory_space<vmem>>
      %dma_start3A_76 = arith.constant 0 : i32
      %dma_start3A_77 = arith.constant 0 : i32
      %dma_start3A_78 = tpu.memref_slice %arg2[%dma_start3A_76, %dma_start3A_77] : memref<500000x128xf32, #tpu.memory_space<hbm>> -> memref<500000x128xf32, #tpu.memory_space<hbm>>
      tpu.enqueue_indirect_dma source(%dma_start3A_78 : memref<500000x128xf32, #tpu.memory_space<hbm>>) target(%dma_start3A_72 : memref<80x128xf32, #tpu.memory_space<vmem>>) offsets(%dma_start3A_75 : memref<80xi32, #tpu.memory_space<vmem>>) semaphore(%arg10 : memref<!tpu.dma_semaphore, #tpu.memory_space<semaphore_mem>>)
      %mul3A_79 = arith.constant 256 : i32
      %mul3A_80 = arith.muli %add3A, %mul3A_79 : i32
      %mul3A_81 = arith.constant 8 : i32
      %mul3A_82 = arith.muli %scan3A_42, %mul3A_81 : i32
      %add3A_83 = arith.addi %mul3A_80, %mul3A_82 : i32
      %dma_start3A_84 = arith.constant 0 : i32
      %dma_start3A_85 = tpu.memref_slice %arg3[%add3A_83, %dma_start3A_84] : memref<8192x128xf32, #tpu.memory_space<hbm>> -> memref<8x128xf32, #tpu.memory_space<hbm>>
      %dma_start3A_86 = arith.constant 0 : i32
      %dma_start3A_87 = tpu.memref_slice %arg3[%add3A_83, %dma_start3A_86] : memref<8192x128xf32, #tpu.memory_space<hbm>> -> memref<8x128xf32, #tpu.memory_space<hbm>>
      tpu.enqueue_dma source(%dma_start3A_87 : memref<8x128xf32, #tpu.memory_space<hbm>>) target(%arg7 : memref<8x128xf32, #tpu.memory_space<vmem>>) target_semaphore(%arg10 : memref<!tpu.dma_semaphore, #tpu.memory_space<semaphore_mem>>)
      %dma_wait3A = arith.constant 0 : i32
      %dma_wait3A_88 = arith.constant 0 : i32
      %dma_wait3A_89 = tpu.memref_slice %arg8[%dma_wait3A, %dma_wait3A_88] : memref<336x128xf32, #tpu.memory_space<vmem>> -> memref<128x128xf32, #tpu.memory_space<vmem>>
      %dma_wait3A_90 = arith.constant 0 : i32
      %dma_wait3A_91 = arith.constant 0 : i32
      %dma_wait3A_92 = tpu.memref_slice %arg2[%dma_wait3A_90, %dma_wait3A_91] : memref<500000x128xf32, #tpu.memory_space<hbm>> -> memref<128x128xf32, #tpu.memory_space<hbm>>
      %dma_wait3A_93 = arith.constant 0 : i32
      %dma_wait3A_94 = arith.constant 0 : i32
      %dma_wait3A_95 = tpu.memref_slice %arg8[%dma_wait3A_93, %dma_wait3A_94] : memref<336x128xf32, #tpu.memory_space<vmem>> -> memref<128x128xf32, #tpu.memory_space<vmem>>
      %dma_wait3A_96 = arith.constant 0 : i32
      %dma_wait3A_97 = arith.constant 0 : i32
      %dma_wait3A_98 = tpu.memref_slice %arg2[%dma_wait3A_96, %dma_wait3A_97] : memref<500000x128xf32, #tpu.memory_space<hbm>> -> memref<128x128xf32, #tpu.memory_space<hbm>>
      tpu.wait_dma2 semaphore(%arg10 : memref<!tpu.dma_semaphore, #tpu.memory_space<semaphore_mem>>) src(%dma_wait3A_98 : memref<128x128xf32, #tpu.memory_space<hbm>>) dst(%dma_wait3A_95 : memref<128x128xf32, #tpu.memory_space<vmem>>)
      %dma_wait3A_99 = arith.constant 128 : i32
      %dma_wait3A_100 = arith.constant 0 : i32
      %dma_wait3A_101 = tpu.memref_slice %arg8[%dma_wait3A_99, %dma_wait3A_100] : memref<336x128xf32, #tpu.memory_space<vmem>> -> memref<128x128xf32, #tpu.memory_space<vmem>>
      %dma_wait3A_102 = arith.constant 0 : i32
      %dma_wait3A_103 = arith.constant 0 : i32
      %dma_wait3A_104 = tpu.memref_slice %arg2[%dma_wait3A_102, %dma_wait3A_103] : memref<500000x128xf32, #tpu.memory_space<hbm>> -> memref<128x128xf32, #tpu.memory_space<hbm>>
      %dma_wait3A_105 = arith.constant 128 : i32
      %dma_wait3A_106 = arith.constant 0 : i32
      %dma_wait3A_107 = tpu.memref_slice %arg8[%dma_wait3A_105, %dma_wait3A_106] : memref<336x128xf32, #tpu.memory_space<vmem>> -> memref<128x128xf32, #tpu.memory_space<vmem>>
      %dma_wait3A_108 = arith.constant 0 : i32
      %dma_wait3A_109 = arith.constant 0 : i32
      %dma_wait3A_110 = tpu.memref_slice %arg2[%dma_wait3A_108, %dma_wait3A_109] : memref<500000x128xf32, #tpu.memory_space<hbm>> -> memref<128x128xf32, #tpu.memory_space<hbm>>
      tpu.wait_dma2 semaphore(%arg10 : memref<!tpu.dma_semaphore, #tpu.memory_space<semaphore_mem>>) src(%dma_wait3A_110 : memref<128x128xf32, #tpu.memory_space<hbm>>) dst(%dma_wait3A_107 : memref<128x128xf32, #tpu.memory_space<vmem>>)
      %dma_wait3A_111 = arith.constant 256 : i32
      %dma_wait3A_112 = arith.constant 0 : i32
      %dma_wait3A_113 = tpu.memref_slice %arg8[%dma_wait3A_111, %dma_wait3A_112] : memref<336x128xf32, #tpu.memory_space<vmem>> -> memref<80x128xf32, #tpu.memory_space<vmem>>
      %dma_wait3A_114 = arith.constant 0 : i32
      %dma_wait3A_115 = arith.constant 0 : i32
      %dma_wait3A_116 = tpu.memref_slice %arg2[%dma_wait3A_114, %dma_wait3A_115] : memref<500000x128xf32, #tpu.memory_space<hbm>> -> memref<80x128xf32, #tpu.memory_space<hbm>>
      %dma_wait3A_117 = arith.constant 256 : i32
      %dma_wait3A_118 = arith.constant 0 : i32
      %dma_wait3A_119 = tpu.memref_slice %arg8[%dma_wait3A_117, %dma_wait3A_118] : memref<336x128xf32, #tpu.memory_space<vmem>> -> memref<80x128xf32, #tpu.memory_space<vmem>>
      %dma_wait3A_120 = arith.constant 0 : i32
      %dma_wait3A_121 = arith.constant 0 : i32
      %dma_wait3A_122 = tpu.memref_slice %arg2[%dma_wait3A_120, %dma_wait3A_121] : memref<500000x128xf32, #tpu.memory_space<hbm>> -> memref<80x128xf32, #tpu.memory_space<hbm>>
      tpu.wait_dma2 semaphore(%arg10 : memref<!tpu.dma_semaphore, #tpu.memory_space<semaphore_mem>>) src(%dma_wait3A_122 : memref<80x128xf32, #tpu.memory_space<hbm>>) dst(%dma_wait3A_119 : memref<80x128xf32, #tpu.memory_space<vmem>>)
      %dma_wait3A_123 = arith.constant 0 : i32
      %dma_wait3A_124 = arith.constant 0 : i32
      %dma_wait3A_125 = tpu.memref_slice %arg3[%dma_wait3A_123, %dma_wait3A_124] : memref<8192x128xf32, #tpu.memory_space<hbm>> -> memref<8x128xf32, #tpu.memory_space<hbm>>
      %dma_wait3A_126 = arith.constant 0 : i32
      %dma_wait3A_127 = arith.constant 0 : i32
      %dma_wait3A_128 = tpu.memref_slice %arg3[%dma_wait3A_126, %dma_wait3A_127] : memref<8192x128xf32, #tpu.memory_space<hbm>> -> memref<8x128xf32, #tpu.memory_space<hbm>>
      tpu.wait_dma2 semaphore(%arg10 : memref<!tpu.dma_semaphore, #tpu.memory_space<semaphore_mem>>) src(%dma_wait3A_128 : memref<8x128xf32, #tpu.memory_space<hbm>>) dst(%arg7 : memref<8x128xf32, #tpu.memory_space<vmem>>)
      %add3A_129 = arith.constant 320 : i32
      %add3A_130 = vector.broadcast %add3A_129 : i32 to vector<16xi32>
      %add3A_131 = arith.addi %add3A_130, %iota3A : vector<16xi32>
      %mul3A_132 = arith.constant 6 : i32
      %mul3A_133 = arith.muli %mul3A_132, %scan3A_42 : i32
      %add3A_134 = arith.constant 3 : i32
      %add3A_135 = arith.addi %mul3A_133, %add3A_134 : i32
      %shift_right_arithmetic3A = arith.constant 7 : i32
      %shift_right_arithmetic3A_136 = vector.broadcast %shift_right_arithmetic3A : i32 to vector<16xi32>
      %shift_right_arithmetic3A_137 = arith.shrsi %add3A_131, %shift_right_arithmetic3A_136 : vector<16xi32>
      %add3A_138 = vector.broadcast %add3A_135 : i32 to vector<16xi32>
      %add3A_139 = arith.addi %add3A_138, %shift_right_arithmetic3A_137 : vector<16xi32>
      %and3A_140 = arith.constant 127 : i32
      %and3A_141 = vector.broadcast %and3A_140 : i32 to vector<16xi32>
      %and3A_142 = arith.andi %add3A_131, %and3A_141 : vector<16xi32>
      %gather3A = tpu.vector_load_idx %arg6[%add3A_139, %and3A_142] : memref<192x128xi32, #tpu.memory_space<vmem>>[vector<16xi32>, vector<16xi32>], vector<16xi32>,
      %add3A_143 = arith.constant 0 : i32
      %add3A_144 = vector.broadcast %add3A_143 : i32 to vector<16xi32>
      %add3A_145 = arith.addi %mul3A_5, %add3A_144 : vector<16xi32>
      %mul3A_146 = arith.constant 6 : i32
      %mul3A_147 = arith.muli %mul3A_146, %scan3A_42 : i32
      %add3A_148 = arith.constant 3 : i32
      %add3A_149 = arith.addi %mul3A_147, %add3A_148 : i32
      %shift_right_arithmetic3A_150 = arith.constant 7 : i32
      %shift_right_arithmetic3A_151 = vector.broadcast %shift_right_arithmetic3A_150 : i32 to vector<16xi32>
      %shift_right_arithmetic3A_152 = arith.shrsi %add3A_145, %shift_right_arithmetic3A_151 : vector<16xi32>
      %add3A_153 = vector.broadcast %add3A_149 : i32 to vector<16xi32>
      %add3A_154 = arith.addi %add3A_153, %shift_right_arithmetic3A_152 : vector<16xi32>
      %and3A_155 = arith.constant 127 : i32
      %and3A_156 = vector.broadcast %and3A_155 : i32 to vector<16xi32>
      %and3A_157 = arith.andi %add3A_145, %and3A_156 : vector<16xi32>
      %gather3A_158 = tpu.vector_load_idx %arg6[%add3A_154, %and3A_157] : memref<192x128xi32, #tpu.memory_space<vmem>>[vector<16xi32>, vector<16xi32>], vector<16xi32>,
      %add3A_159 = arith.constant 1 : i32
      %add3A_160 = vector.broadcast %add3A_159 : i32 to vector<16xi32>
      %add3A_161 = arith.addi %mul3A_5, %add3A_160 : vector<16xi32>
      %mul3A_162 = arith.constant 6 : i32
      %mul3A_163 = arith.muli %mul3A_162, %scan3A_42 : i32
      %add3A_164 = arith.constant 3 : i32
      %add3A_165 = arith.addi %mul3A_163, %add3A_164 : i32
      %shift_right_arithmetic3A_166 = arith.constant 7 : i32
      %shift_right_arithmetic3A_167 = vector.broadcast %shift_right_arithmetic3A_166 : i32 to vector<16xi32>
      %shift_right_arithmetic3A_168 = arith.shrsi %add3A_161, %shift_right_arithmetic3A_167 : vector<16xi32>
      %add3A_169 = vector.broadcast %add3A_165 : i32 to vector<16xi32>
      %add3A_170 = arith.addi %add3A_169, %shift_right_arithmetic3A_168 : vector<16xi32>
      %and3A_171 = arith.constant 127 : i32
      %and3A_172 = vector.broadcast %and3A_171 : i32 to vector<16xi32>
      %and3A_173 = arith.andi %add3A_161, %and3A_172 : vector<16xi32>
      %gather3A_174 = tpu.vector_load_idx %arg6[%add3A_170, %and3A_173] : memref<192x128xi32, #tpu.memory_space<vmem>>[vector<16xi32>, vector<16xi32>], vector<16xi32>,
      %add3A_175 = arith.constant 2 : i32
      %add3A_176 = vector.broadcast %add3A_175 : i32 to vector<16xi32>
      %add3A_177 = arith.addi %mul3A_5, %add3A_176 : vector<16xi32>
      %mul3A_178 = arith.constant 6 : i32
      %mul3A_179 = arith.muli %mul3A_178, %scan3A_42 : i32
      %add3A_180 = arith.constant 3 : i32
      %add3A_181 = arith.addi %mul3A_179, %add3A_180 : i32
      %shift_right_arithmetic3A_182 = arith.constant 7 : i32
      %shift_right_arithmetic3A_183 = vector.broadcast %shift_right_arithmetic3A_182 : i32 to vector<16xi32>
      %shift_right_arithmetic3A_184 = arith.shrsi %add3A_177, %shift_right_arithmetic3A_183 : vector<16xi32>
      %add3A_185 = vector.broadcast %add3A_181 : i32 to vector<16xi32>
      %add3A_186 = arith.addi %add3A_185, %shift_right_arithmetic3A_184 : vector<16xi32>
      %and3A_187 = arith.constant 127 : i32
      %and3A_188 = vector.broadcast %and3A_187 : i32 to vector<16xi32>
      %and3A_189 = arith.andi %add3A_177, %and3A_188 : vector<16xi32>
      %gather3A_190 = tpu.vector_load_idx %arg6[%add3A_186, %and3A_189] : memref<192x128xi32, #tpu.memory_space<vmem>>[vector<16xi32>, vector<16xi32>], vector<16xi32>,
      %add3A_191 = arith.constant 3 : i32
      %add3A_192 = vector.broadcast %add3A_191 : i32 to vector<16xi32>
      %add3A_193 = arith.addi %mul3A_5, %add3A_192 : vector<16xi32>
      %mul3A_194 = arith.constant 6 : i32
      %mul3A_195 = arith.muli %mul3A_194, %scan3A_42 : i32
      %add3A_196 = arith.constant 3 : i32
      %add3A_197 = arith.addi %mul3A_195, %add3A_196 : i32
      %shift_right_arithmetic3A_198 = arith.constant 7 : i32
      %shift_right_arithmetic3A_199 = vector.broadcast %shift_right_arithmetic3A_198 : i32 to vector<16xi32>
      %shift_right_arithmetic3A_200 = arith.shrsi %add3A_193, %shift_right_arithmetic3A_199 : vector<16xi32>
      %add3A_201 = vector.broadcast %add3A_197 : i32 to vector<16xi32>
      %add3A_202 = arith.addi %add3A_201, %shift_right_arithmetic3A_200 : vector<16xi32>
      %and3A_203 = arith.constant 127 : i32
      %and3A_204 = vector.broadcast %and3A_203 : i32 to vector<16xi32>
      %and3A_205 = arith.andi %add3A_193, %and3A_204 : vector<16xi32>
      %gather3A_206 = tpu.vector_load_idx %arg6[%add3A_202, %and3A_205] : memref<192x128xi32, #tpu.memory_space<vmem>>[vector<16xi32>, vector<16xi32>], vector<16xi32>,
      %add3A_207 = arith.constant 4 : i32
      %add3A_208 = vector.broadcast %add3A_207 : i32 to vector<16xi32>
      %add3A_209 = arith.addi %mul3A_5, %add3A_208 : vector<16xi32>
      %mul3A_210 = arith.constant 6 : i32
      %mul3A_211 = arith.muli %mul3A_210, %scan3A_42 : i32
      %add3A_212 = arith.constant 3 : i32
      %add3A_213 = arith.addi %mul3A_211, %add3A_212 : i32
      %shift_right_arithmetic3A_214 = arith.constant 7 : i32
      %shift_right_arithmetic3A_215 = vector.broadcast %shift_right_arithmetic3A_214 : i32 to vector<16xi32>
      %shift_right_arithmetic3A_216 = arith.shrsi %add3A_209, %shift_right_arithmetic3A_215 : vector<16xi32>
      %add3A_217 = vector.broadcast %add3A_213 : i32 to vector<16xi32>
      %add3A_218 = arith.addi %add3A_217, %shift_right_arithmetic3A_216 : vector<16xi32>
      %and3A_219 = arith.constant 127 : i32
      %and3A_220 = vector.broadcast %and3A_219 : i32 to vector<16xi32>
      %and3A_221 = arith.andi %add3A_209, %and3A_220 : vector<16xi32>
      %gather3A_222 = tpu.vector_load_idx %arg6[%add3A_218, %and3A_221] : memref<192x128xi32, #tpu.memory_space<vmem>>[vector<16xi32>, vector<16xi32>], vector<16xi32>,
      %add3A_223 = arith.constant 5 : i32
      %add3A_224 = vector.broadcast %add3A_223 : i32 to vector<16xi32>
      %add3A_225 = arith.addi %mul3A_5, %add3A_224 : vector<16xi32>
      %mul3A_226 = arith.constant 6 : i32
      %mul3A_227 = arith.muli %mul3A_226, %scan3A_42 : i32
      %add3A_228 = arith.constant 3 : i32
      %add3A_229 = arith.addi %mul3A_227, %add3A_228 : i32
      %shift_right_arithmetic3A_230 = arith.constant 7 : i32
      %shift_right_arithmetic3A_231 = vector.broadcast %shift_right_arithmetic3A_230 : i32 to vector<16xi32>
      %shift_right_arithmetic3A_232 = arith.shrsi %add3A_225, %shift_right_arithmetic3A_231 : vector<16xi32>
      %add3A_233 = vector.broadcast %add3A_229 : i32 to vector<16xi32>
      %add3A_234 = arith.addi %add3A_233, %shift_right_arithmetic3A_232 : vector<16xi32>
      %and3A_235 = arith.constant 127 : i32
      %and3A_236 = vector.broadcast %and3A_235 : i32 to vector<16xi32>
      %and3A_237 = arith.andi %add3A_225, %and3A_236 : vector<16xi32>
      %gather3A_238 = tpu.vector_load_idx %arg6[%add3A_234, %and3A_237] : memref<192x128xi32, #tpu.memory_space<vmem>>[vector<16xi32>, vector<16xi32>], vector<16xi32>,
      %add3A_239 = arith.constant 6 : i32
      %add3A_240 = vector.broadcast %add3A_239 : i32 to vector<16xi32>
      %add3A_241 = arith.addi %mul3A_5, %add3A_240 : vector<16xi32>
      %mul3A_242 = arith.constant 6 : i32
      %mul3A_243 = arith.muli %mul3A_242, %scan3A_42 : i32
      %add3A_244 = arith.constant 3 : i32
      %add3A_245 = arith.addi %mul3A_243, %add3A_244 : i32
      %shift_right_arithmetic3A_246 = arith.constant 7 : i32
      %shift_right_arithmetic3A_247 = vector.broadcast %shift_right_arithmetic3A_246 : i32 to vector<16xi32>
      %shift_right_arithmetic3A_248 = arith.shrsi %add3A_241, %shift_right_arithmetic3A_247 : vector<16xi32>
      %add3A_249 = vector.broadcast %add3A_245 : i32 to vector<16xi32>
      %add3A_250 = arith.addi %add3A_249, %shift_right_arithmetic3A_248 : vector<16xi32>
      %and3A_251 = arith.constant 127 : i32
      %and3A_252 = vector.broadcast %and3A_251 : i32 to vector<16xi32>
      %and3A_253 = arith.andi %add3A_241, %and3A_252 : vector<16xi32>
      %gather3A_254 = tpu.vector_load_idx %arg6[%add3A_250, %and3A_253] : memref<192x128xi32, #tpu.memory_space<vmem>>[vector<16xi32>, vector<16xi32>], vector<16xi32>,
      %add3A_255 = arith.constant 7 : i32
      %add3A_256 = vector.broadcast %add3A_255 : i32 to vector<16xi32>
      %add3A_257 = arith.addi %mul3A_5, %add3A_256 : vector<16xi32>
      %mul3A_258 = arith.constant 6 : i32
      %mul3A_259 = arith.muli %mul3A_258, %scan3A_42 : i32
      %add3A_260 = arith.constant 3 : i32
      %add3A_261 = arith.addi %mul3A_259, %add3A_260 : i32
      %shift_right_arithmetic3A_262 = arith.constant 7 : i32
      %shift_right_arithmetic3A_263 = vector.broadcast %shift_right_arithmetic3A_262 : i32 to vector<16xi32>
      %shift_right_arithmetic3A_264 = arith.shrsi %add3A_257, %shift_right_arithmetic3A_263 : vector<16xi32>
      %add3A_265 = vector.broadcast %add3A_261 : i32 to vector<16xi32>
      %add3A_266 = arith.addi %add3A_265, %shift_right_arithmetic3A_264 : vector<16xi32>
      %and3A_267 = arith.constant 127 : i32
      %and3A_268 = vector.broadcast %and3A_267 : i32 to vector<16xi32>
      %and3A_269 = arith.andi %add3A_257, %and3A_268 : vector<16xi32>
      %gather3A_270 = tpu.vector_load_idx %arg6[%add3A_266, %and3A_269] : memref<192x128xi32, #tpu.memory_space<vmem>>[vector<16xi32>, vector<16xi32>], vector<16xi32>,
      %add3A_271 = arith.constant 8 : i32
      %add3A_272 = vector.broadcast %add3A_271 : i32 to vector<16xi32>
      %add3A_273 = arith.addi %mul3A_5, %add3A_272 : vector<16xi32>
      %mul3A_274 = arith.constant 6 : i32
      %mul3A_275 = arith.muli %mul3A_274, %scan3A_42 : i32
      %add3A_276 = arith.constant 3 : i32
      %add3A_277 = arith.addi %mul3A_275, %add3A_276 : i32
      %shift_right_arithmetic3A_278 = arith.constant 7 : i32
      %shift_right_arithmetic3A_279 = vector.broadcast %shift_right_arithmetic3A_278 : i32 to vector<16xi32>
      %shift_right_arithmetic3A_280 = arith.shrsi %add3A_273, %shift_right_arithmetic3A_279 : vector<16xi32>
      %add3A_281 = vector.broadcast %add3A_277 : i32 to vector<16xi32>
      %add3A_282 = arith.addi %add3A_281, %shift_right_arithmetic3A_280 : vector<16xi32>
      %and3A_283 = arith.constant 127 : i32
      %and3A_284 = vector.broadcast %and3A_283 : i32 to vector<16xi32>
      %and3A_285 = arith.andi %add3A_273, %and3A_284 : vector<16xi32>
      %gather3A_286 = tpu.vector_load_idx %arg6[%add3A_282, %and3A_285] : memref<192x128xi32, #tpu.memory_space<vmem>>[vector<16xi32>, vector<16xi32>], vector<16xi32>,
      %add3A_287 = arith.constant 9 : i32
      %add3A_288 = vector.broadcast %add3A_287 : i32 to vector<16xi32>
      %add3A_289 = arith.addi %mul3A_5, %add3A_288 : vector<16xi32>
      %mul3A_290 = arith.constant 6 : i32
      %mul3A_291 = arith.muli %mul3A_290, %scan3A_42 : i32
      %add3A_292 = arith.constant 3 : i32
      %add3A_293 = arith.addi %mul3A_291, %add3A_292 : i32
      %shift_right_arithmetic3A_294 = arith.constant 7 : i32
      %shift_right_arithmetic3A_295 = vector.broadcast %shift_right_arithmetic3A_294 : i32 to vector<16xi32>
      %shift_right_arithmetic3A_296 = arith.shrsi %add3A_289, %shift_right_arithmetic3A_295 : vector<16xi32>
      %add3A_297 = vector.broadcast %add3A_293 : i32 to vector<16xi32>
      %add3A_298 = arith.addi %add3A_297, %shift_right_arithmetic3A_296 : vector<16xi32>
      %and3A_299 = arith.constant 127 : i32
      %and3A_300 = vector.broadcast %and3A_299 : i32 to vector<16xi32>
      %and3A_301 = arith.andi %add3A_289, %and3A_300 : vector<16xi32>
      %gather3A_302 = tpu.vector_load_idx %arg6[%add3A_298, %and3A_301] : memref<192x128xi32, #tpu.memory_space<vmem>>[vector<16xi32>, vector<16xi32>], vector<16xi32>,
      %add3A_303 = arith.constant 10 : i32
      %add3A_304 = vector.broadcast %add3A_303 : i32 to vector<16xi32>
      %add3A_305 = arith.addi %mul3A_5, %add3A_304 : vector<16xi32>
      %mul3A_306 = arith.constant 6 : i32
      %mul3A_307 = arith.muli %mul3A_306, %scan3A_42 : i32
      %add3A_308 = arith.constant 3 : i32
      %add3A_309 = arith.addi %mul3A_307, %add3A_308 : i32
      %shift_right_arithmetic3A_310 = arith.constant 7 : i32
      %shift_right_arithmetic3A_311 = vector.broadcast %shift_right_arithmetic3A_310 : i32 to vector<16xi32>
      %shift_right_arithmetic3A_312 = arith.shrsi %add3A_305, %shift_right_arithmetic3A_311 : vector<16xi32>
      %add3A_313 = vector.broadcast %add3A_309 : i32 to vector<16xi32>
      %add3A_314 = arith.addi %add3A_313, %shift_right_arithmetic3A_312 : vector<16xi32>
      %and3A_315 = arith.constant 127 : i32
      %and3A_316 = vector.broadcast %and3A_315 : i32 to vector<16xi32>
      %and3A_317 = arith.andi %add3A_305, %and3A_316 : vector<16xi32>
      %gather3A_318 = tpu.vector_load_idx %arg6[%add3A_314, %and3A_317] : memref<192x128xi32, #tpu.memory_space<vmem>>[vector<16xi32>, vector<16xi32>], vector<16xi32>,
      %add3A_319 = arith.constant 11 : i32
      %add3A_320 = vector.broadcast %add3A_319 : i32 to vector<16xi32>
      %add3A_321 = arith.addi %mul3A_5, %add3A_320 : vector<16xi32>
      %mul3A_322 = arith.constant 6 : i32
      %mul3A_323 = arith.muli %mul3A_322, %scan3A_42 : i32
      %add3A_324 = arith.constant 3 : i32
      %add3A_325 = arith.addi %mul3A_323, %add3A_324 : i32
      %shift_right_arithmetic3A_326 = arith.constant 7 : i32
      %shift_right_arithmetic3A_327 = vector.broadcast %shift_right_arithmetic3A_326 : i32 to vector<16xi32>
      %shift_right_arithmetic3A_328 = arith.shrsi %add3A_321, %shift_right_arithmetic3A_327 : vector<16xi32>
      %add3A_329 = vector.broadcast %add3A_325 : i32 to vector<16xi32>
      %add3A_330 = arith.addi %add3A_329, %shift_right_arithmetic3A_328 : vector<16xi32>
      %and3A_331 = arith.constant 127 : i32
      %and3A_332 = vector.broadcast %and3A_331 : i32 to vector<16xi32>
      %and3A_333 = arith.andi %add3A_321, %and3A_332 : vector<16xi32>
      %gather3A_334 = tpu.vector_load_idx %arg6[%add3A_330, %and3A_333] : memref<192x128xi32, #tpu.memory_space<vmem>>[vector<16xi32>, vector<16xi32>], vector<16xi32>,
      %add3A_335 = arith.constant 12 : i32
      %add3A_336 = vector.broadcast %add3A_335 : i32 to vector<16xi32>
      %add3A_337 = arith.addi %mul3A_5, %add3A_336 : vector<16xi32>
      %mul3A_338 = arith.constant 6 : i32
      %mul3A_339 = arith.muli %mul3A_338, %scan3A_42 : i32
      %add3A_340 = arith.constant 3 : i32
      %add3A_341 = arith.addi %mul3A_339, %add3A_340 : i32
      %shift_right_arithmetic3A_342 = arith.constant 7 : i32
      %shift_right_arithmetic3A_343 = vector.broadcast %shift_right_arithmetic3A_342 : i32 to vector<16xi32>
      %shift_right_arithmetic3A_344 = arith.shrsi %add3A_337, %shift_right_arithmetic3A_343 : vector<16xi32>
      %add3A_345 = vector.broadcast %add3A_341 : i32 to vector<16xi32>
      %add3A_346 = arith.addi %add3A_345, %shift_right_arithmetic3A_344 : vector<16xi32>
      %and3A_347 = arith.constant 127 : i32
      %and3A_348 = vector.broadcast %and3A_347 : i32 to vector<16xi32>
      %and3A_349 = arith.andi %add3A_337, %and3A_348 : vector<16xi32>
      %gather3A_350 = tpu.vector_load_idx %arg6[%add3A_346, %and3A_349] : memref<192x128xi32, #tpu.memory_space<vmem>>[vector<16xi32>, vector<16xi32>], vector<16xi32>,
      %add3A_351 = arith.constant 13 : i32
      %add3A_352 = vector.broadcast %add3A_351 : i32 to vector<16xi32>
      %add3A_353 = arith.addi %mul3A_5, %add3A_352 : vector<16xi32>
      %mul3A_354 = arith.constant 6 : i32
      %mul3A_355 = arith.muli %mul3A_354, %scan3A_42 : i32
      %add3A_356 = arith.constant 3 : i32
      %add3A_357 = arith.addi %mul3A_355, %add3A_356 : i32
      %shift_right_arithmetic3A_358 = arith.constant 7 : i32
      %shift_right_arithmetic3A_359 = vector.broadcast %shift_right_arithmetic3A_358 : i32 to vector<16xi32>
      %shift_right_arithmetic3A_360 = arith.shrsi %add3A_353, %shift_right_arithmetic3A_359 : vector<16xi32>
      %add3A_361 = vector.broadcast %add3A_357 : i32 to vector<16xi32>
      %add3A_362 = arith.addi %add3A_361, %shift_right_arithmetic3A_360 : vector<16xi32>
      %and3A_363 = arith.constant 127 : i32
      %and3A_364 = vector.broadcast %and3A_363 : i32 to vector<16xi32>
      %and3A_365 = arith.andi %add3A_353, %and3A_364 : vector<16xi32>
      %gather3A_366 = tpu.vector_load_idx %arg6[%add3A_362, %and3A_365] : memref<192x128xi32, #tpu.memory_space<vmem>>[vector<16xi32>, vector<16xi32>], vector<16xi32>,
      %add3A_367 = arith.constant 14 : i32
      %add3A_368 = vector.broadcast %add3A_367 : i32 to vector<16xi32>
      %add3A_369 = arith.addi %mul3A_5, %add3A_368 : vector<16xi32>
      %mul3A_370 = arith.constant 6 : i32
      %mul3A_371 = arith.muli %mul3A_370, %scan3A_42 : i32
      %add3A_372 = arith.constant 3 : i32
      %add3A_373 = arith.addi %mul3A_371, %add3A_372 : i32
      %shift_right_arithmetic3A_374 = arith.constant 7 : i32
      %shift_right_arithmetic3A_375 = vector.broadcast %shift_right_arithmetic3A_374 : i32 to vector<16xi32>
      %shift_right_arithmetic3A_376 = arith.shrsi %add3A_369, %shift_right_arithmetic3A_375 : vector<16xi32>
      %add3A_377 = vector.broadcast %add3A_373 : i32 to vector<16xi32>
      %add3A_378 = arith.addi %add3A_377, %shift_right_arithmetic3A_376 : vector<16xi32>
      %and3A_379 = arith.constant 127 : i32
      %and3A_380 = vector.broadcast %and3A_379 : i32 to vector<16xi32>
      %and3A_381 = arith.andi %add3A_369, %and3A_380 : vector<16xi32>
      %gather3A_382 = tpu.vector_load_idx %arg6[%add3A_378, %and3A_381] : memref<192x128xi32, #tpu.memory_space<vmem>>[vector<16xi32>, vector<16xi32>], vector<16xi32>,
      %add3A_383 = arith.constant 15 : i32
      %add3A_384 = vector.broadcast %add3A_383 : i32 to vector<16xi32>
      %add3A_385 = arith.addi %mul3A_5, %add3A_384 : vector<16xi32>
      %mul3A_386 = arith.constant 6 : i32
      %mul3A_387 = arith.muli %mul3A_386, %scan3A_42 : i32
      %add3A_388 = arith.constant 3 : i32
      %add3A_389 = arith.addi %mul3A_387, %add3A_388 : i32
      %shift_right_arithmetic3A_390 = arith.constant 7 : i32
      %shift_right_arithmetic3A_391 = vector.broadcast %shift_right_arithmetic3A_390 : i32 to vector<16xi32>
      %shift_right_arithmetic3A_392 = arith.shrsi %add3A_385, %shift_right_arithmetic3A_391 : vector<16xi32>
      %add3A_393 = vector.broadcast %add3A_389 : i32 to vector<16xi32>
      %add3A_394 = arith.addi %add3A_393, %shift_right_arithmetic3A_392 : vector<16xi32>
      %and3A_395 = arith.constant 127 : i32
      %and3A_396 = vector.broadcast %and3A_395 : i32 to vector<16xi32>
      %and3A_397 = arith.andi %add3A_385, %and3A_396 : vector<16xi32>
      %gather3A_398 = tpu.vector_load_idx %arg6[%add3A_394, %and3A_397] : memref<192x128xi32, #tpu.memory_space<vmem>>[vector<16xi32>, vector<16xi32>], vector<16xi32>,
      %add3A_399 = arith.constant 16 : i32
      %add3A_400 = vector.broadcast %add3A_399 : i32 to vector<16xi32>
      %add3A_401 = arith.addi %mul3A_5, %add3A_400 : vector<16xi32>
      %mul3A_402 = arith.constant 6 : i32
      %mul3A_403 = arith.muli %mul3A_402, %scan3A_42 : i32
      %add3A_404 = arith.constant 3 : i32
      %add3A_405 = arith.addi %mul3A_403, %add3A_404 : i32
      %shift_right_arithmetic3A_406 = arith.constant 7 : i32
      %shift_right_arithmetic3A_407 = vector.broadcast %shift_right_arithmetic3A_406 : i32 to vector<16xi32>
      %shift_right_arithmetic3A_408 = arith.shrsi %add3A_401, %shift_right_arithmetic3A_407 : vector<16xi32>
      %add3A_409 = vector.broadcast %add3A_405 : i32 to vector<16xi32>
      %add3A_410 = arith.addi %add3A_409, %shift_right_arithmetic3A_408 : vector<16xi32>
      %and3A_411 = arith.constant 127 : i32
      %and3A_412 = vector.broadcast %and3A_411 : i32 to vector<16xi32>
      %and3A_413 = arith.andi %add3A_401, %and3A_412 : vector<16xi32>
      %gather3A_414 = tpu.vector_load_idx %arg6[%add3A_410, %and3A_413] : memref<192x128xi32, #tpu.memory_space<vmem>>[vector<16xi32>, vector<16xi32>], vector<16xi32>,
      %add3A_415 = arith.constant 17 : i32
      %add3A_416 = vector.broadcast %add3A_415 : i32 to vector<16xi32>
      %add3A_417 = arith.addi %mul3A_5, %add3A_416 : vector<16xi32>
      %mul3A_418 = arith.constant 6 : i32
      %mul3A_419 = arith.muli %mul3A_418, %scan3A_42 : i32
      %add3A_420 = arith.constant 3 : i32
      %add3A_421 = arith.addi %mul3A_419, %add3A_420 : i32
      %shift_right_arithmetic3A_422 = arith.constant 7 : i32
      %shift_right_arithmetic3A_423 = vector.broadcast %shift_right_arithmetic3A_422 : i32 to vector<16xi32>
      %shift_right_arithmetic3A_424 = arith.shrsi %add3A_417, %shift_right_arithmetic3A_423 : vector<16xi32>
      %add3A_425 = vector.broadcast %add3A_421 : i32 to vector<16xi32>
      %add3A_426 = arith.addi %add3A_425, %shift_right_arithmetic3A_424 : vector<16xi32>
      %and3A_427 = arith.constant 127 : i32
      %and3A_428 = vector.broadcast %and3A_427 : i32 to vector<16xi32>
      %and3A_429 = arith.andi %add3A_417, %and3A_428 : vector<16xi32>
      %gather3A_430 = tpu.vector_load_idx %arg6[%add3A_426, %and3A_429] : memref<192x128xi32, #tpu.memory_space<vmem>>[vector<16xi32>, vector<16xi32>], vector<16xi32>,
      %add3A_431 = arith.constant 18 : i32
      %add3A_432 = vector.broadcast %add3A_431 : i32 to vector<16xi32>
      %add3A_433 = arith.addi %mul3A_5, %add3A_432 : vector<16xi32>
      %mul3A_434 = arith.constant 6 : i32
      %mul3A_435 = arith.muli %mul3A_434, %scan3A_42 : i32
      %add3A_436 = arith.constant 3 : i32
      %add3A_437 = arith.addi %mul3A_435, %add3A_436 : i32
      %shift_right_arithmetic3A_438 = arith.constant 7 : i32
      %shift_right_arithmetic3A_439 = vector.broadcast %shift_right_arithmetic3A_438 : i32 to vector<16xi32>
      %shift_right_arithmetic3A_440 = arith.shrsi %add3A_433, %shift_right_arithmetic3A_439 : vector<16xi32>
      %add3A_441 = vector.broadcast %add3A_437 : i32 to vector<16xi32>
      %add3A_442 = arith.addi %add3A_441, %shift_right_arithmetic3A_440 : vector<16xi32>
      %and3A_443 = arith.constant 127 : i32
      %and3A_444 = vector.broadcast %and3A_443 : i32 to vector<16xi32>
      %and3A_445 = arith.andi %add3A_433, %and3A_444 : vector<16xi32>
      %gather3A_446 = tpu.vector_load_idx %arg6[%add3A_442, %and3A_445] : memref<192x128xi32, #tpu.memory_space<vmem>>[vector<16xi32>, vector<16xi32>], vector<16xi32>,
      %add3A_447 = arith.constant 19 : i32
      %add3A_448 = vector.broadcast %add3A_447 : i32 to vector<16xi32>
      %add3A_449 = arith.addi %mul3A_5, %add3A_448 : vector<16xi32>
      %mul3A_450 = arith.constant 6 : i32
      %mul3A_451 = arith.muli %mul3A_450, %scan3A_42 : i32
      %add3A_452 = arith.constant 3 : i32
      %add3A_453 = arith.addi %mul3A_451, %add3A_452 : i32
      %shift_right_arithmetic3A_454 = arith.constant 7 : i32
      %shift_right_arithmetic3A_455 = vector.broadcast %shift_right_arithmetic3A_454 : i32 to vector<16xi32>
      %shift_right_arithmetic3A_456 = arith.shrsi %add3A_449, %shift_right_arithmetic3A_455 : vector<16xi32>
      %add3A_457 = vector.broadcast %add3A_453 : i32 to vector<16xi32>
      %add3A_458 = arith.addi %add3A_457, %shift_right_arithmetic3A_456 : vector<16xi32>
      %and3A_459 = arith.constant 127 : i32
      %and3A_460 = vector.broadcast %and3A_459 : i32 to vector<16xi32>
      %and3A_461 = arith.andi %add3A_449, %and3A_460 : vector<16xi32>
      %gather3A_462 = tpu.vector_load_idx %arg6[%add3A_458, %and3A_461] : memref<192x128xi32, #tpu.memory_space<vmem>>[vector<16xi32>, vector<16xi32>], vector<16xi32>,
      %broadcast_in_dim3A = arith.constant 0.000000e+00 : f32
      %broadcast_in_dim3A_463 = vector.broadcast %broadcast_in_dim3A : f32 to vector<16xf32>
      %scan3A_464 = arith.constant 0 : i32
      %scan3A_465 = arith.constant 64 : i32
      %scan3A_466 = arith.addi %scan3A_464, %scan3A_465 : i32
      %scan3A_467 = arith.constant 1 : i32
      %scan3A_468:21 = scf.for %scan3A_659 = %scan3A_464 to %scan3A_466 step %scan3A_467 iter_args(%scan3A_660 = %broadcast_in_dim3A_463, %scan3A_661 = %broadcast_in_dim3A_463, %scan3A_662 = %broadcast_in_dim3A_463, %scan3A_663 = %broadcast_in_dim3A_463, %scan3A_664 = %broadcast_in_dim3A_463, %scan3A_665 = %broadcast_in_dim3A_463, %scan3A_666 = %broadcast_in_dim3A_463, %scan3A_667 = %broadcast_in_dim3A_463, %scan3A_668 = %broadcast_in_dim3A_463, %scan3A_669 = %broadcast_in_dim3A_463, %scan3A_670 = %broadcast_in_dim3A_463, %scan3A_671 = %broadcast_in_dim3A_463, %scan3A_672 = %broadcast_in_dim3A_463, %scan3A_673 = %broadcast_in_dim3A_463, %scan3A_674 = %broadcast_in_dim3A_463, %scan3A_675 = %broadcast_in_dim3A_463, %scan3A_676 = %broadcast_in_dim3A_463, %scan3A_677 = %broadcast_in_dim3A_463, %scan3A_678 = %broadcast_in_dim3A_463, %scan3A_679 = %broadcast_in_dim3A_463, %scan3A_680 = %broadcast_in_dim3A_463) -> (vector<16xf32>, vector<16xf32>, vector<16xf32>, vector<16xf32>, vector<16xf32>, vector<16xf32>, vector<16xf32>, vector<16xf32>, vector<16xf32>, vector<16xf32>, vector<16xf32>, vector<16xf32>, vector<16xf32>, vector<16xf32>, vector<16xf32>, vector<16xf32>, vector<16xf32>, vector<16xf32>, vector<16xf32>, vector<16xf32>, vector<16xf32>)  : i32 {
        %add3A_681 = vector.broadcast %scan3A_659 : i32 to vector<16xi32>
        %add3A_682 = arith.addi %iota3A, %add3A_681 : vector<16xi32>
        %and3A_683 = arith.constant 63 : i32
        %and3A_684 = vector.broadcast %and3A_683 : i32 to vector<16xi32>
        %and3A_685 = arith.andi %add3A_682, %and3A_684 : vector<16xi32>
        %add3A_686 = arith.addi %mul3A_34, %and3A_685 : vector<16xi32>
        %gather3A_687 = tpu.vector_load_idx %arg7[%select_n3A, %add3A_686] : memref<8x128xf32, #tpu.memory_space<vmem>>[vector<16xi32>, vector<16xi32>], vector<16xf32>,
        %add3A_688 = arith.constant 320 : i32
        %add3A_689 = vector.broadcast %add3A_688 : i32 to vector<16xi32>
        %add3A_690 = arith.addi %add3A_689, %iota3A : vector<16xi32>
        %add3A_691 = arith.addi %gather3A, %and3A_685 : vector<16xi32>
        %gather3A_692 = tpu.vector_load_idx %arg8[%add3A_690, %add3A_691] : memref<336x128xf32, #tpu.memory_space<vmem>>[vector<16xi32>, vector<16xi32>], vector<16xf32>,
        %add3A_693 = arith.constant 0 : i32
        %add3A_694 = vector.broadcast %add3A_693 : i32 to vector<16xi32>
        %add3A_695 = arith.addi %mul3A_5, %add3A_694 : vector<16xi32>
        %add3A_696 = arith.addi %gather3A_158, %and3A_685 : vector<16xi32>
        %gather3A_697 = tpu.vector_load_idx %arg8[%add3A_695, %add3A_696] : memref<336x128xf32, #tpu.memory_space<vmem>>[vector<16xi32>, vector<16xi32>], vector<16xf32>,
        %add3A_698 = arith.constant 1 : i32
        %add3A_699 = vector.broadcast %add3A_698 : i32 to vector<16xi32>
        %add3A_700 = arith.addi %mul3A_5, %add3A_699 : vector<16xi32>
        %add3A_701 = arith.addi %gather3A_174, %and3A_685 : vector<16xi32>
        %gather3A_702 = tpu.vector_load_idx %arg8[%add3A_700, %add3A_701] : memref<336x128xf32, #tpu.memory_space<vmem>>[vector<16xi32>, vector<16xi32>], vector<16xf32>,
        %add3A_703 = arith.constant 2 : i32
        %add3A_704 = vector.broadcast %add3A_703 : i32 to vector<16xi32>
        %add3A_705 = arith.addi %mul3A_5, %add3A_704 : vector<16xi32>
        %add3A_706 = arith.addi %gather3A_190, %and3A_685 : vector<16xi32>
        %gather3A_707 = tpu.vector_load_idx %arg8[%add3A_705, %add3A_706] : memref<336x128xf32, #tpu.memory_space<vmem>>[vector<16xi32>, vector<16xi32>], vector<16xf32>,
        %add3A_708 = arith.constant 3 : i32
        %add3A_709 = vector.broadcast %add3A_708 : i32 to vector<16xi32>
        %add3A_710 = arith.addi %mul3A_5, %add3A_709 : vector<16xi32>
        %add3A_711 = arith.addi %gather3A_206, %and3A_685 : vector<16xi32>
        %gather3A_712 = tpu.vector_load_idx %arg8[%add3A_710, %add3A_711] : memref<336x128xf32, #tpu.memory_space<vmem>>[vector<16xi32>, vector<16xi32>], vector<16xf32>,
        %add3A_713 = arith.constant 4 : i32
        %add3A_714 = vector.broadcast %add3A_713 : i32 to vector<16xi32>
        %add3A_715 = arith.addi %mul3A_5, %add3A_714 : vector<16xi32>
        %add3A_716 = arith.addi %gather3A_222, %and3A_685 : vector<16xi32>
        %gather3A_717 = tpu.vector_load_idx %arg8[%add3A_715, %add3A_716] : memref<336x128xf32, #tpu.memory_space<vmem>>[vector<16xi32>, vector<16xi32>], vector<16xf32>,
        %add3A_718 = arith.constant 5 : i32
        %add3A_719 = vector.broadcast %add3A_718 : i32 to vector<16xi32>
        %add3A_720 = arith.addi %mul3A_5, %add3A_719 : vector<16xi32>
        %add3A_721 = arith.addi %gather3A_238, %and3A_685 : vector<16xi32>
        %gather3A_722 = tpu.vector_load_idx %arg8[%add3A_720, %add3A_721] : memref<336x128xf32, #tpu.memory_space<vmem>>[vector<16xi32>, vector<16xi32>], vector<16xf32>,
        %add3A_723 = arith.constant 6 : i32
        %add3A_724 = vector.broadcast %add3A_723 : i32 to vector<16xi32>
        %add3A_725 = arith.addi %mul3A_5, %add3A_724 : vector<16xi32>
        %add3A_726 = arith.addi %gather3A_254, %and3A_685 : vector<16xi32>
        %gather3A_727 = tpu.vector_load_idx %arg8[%add3A_725, %add3A_726] : memref<336x128xf32, #tpu.memory_space<vmem>>[vector<16xi32>, vector<16xi32>], vector<16xf32>,
        %add3A_728 = arith.constant 7 : i32
        %add3A_729 = vector.broadcast %add3A_728 : i32 to vector<16xi32>
        %add3A_730 = arith.addi %mul3A_5, %add3A_729 : vector<16xi32>
        %add3A_731 = arith.addi %gather3A_270, %and3A_685 : vector<16xi32>
        %gather3A_732 = tpu.vector_load_idx %arg8[%add3A_730, %add3A_731] : memref<336x128xf32, #tpu.memory_space<vmem>>[vector<16xi32>, vector<16xi32>], vector<16xf32>,
        %add3A_733 = arith.constant 8 : i32
        %add3A_734 = vector.broadcast %add3A_733 : i32 to vector<16xi32>
        %add3A_735 = arith.addi %mul3A_5, %add3A_734 : vector<16xi32>
        %add3A_736 = arith.addi %gather3A_286, %and3A_685 : vector<16xi32>
        %gather3A_737 = tpu.vector_load_idx %arg8[%add3A_735, %add3A_736] : memref<336x128xf32, #tpu.memory_space<vmem>>[vector<16xi32>, vector<16xi32>], vector<16xf32>,
        %add3A_738 = arith.constant 9 : i32
        %add3A_739 = vector.broadcast %add3A_738 : i32 to vector<16xi32>
        %add3A_740 = arith.addi %mul3A_5, %add3A_739 : vector<16xi32>
        %add3A_741 = arith.addi %gather3A_302, %and3A_685 : vector<16xi32>
        %gather3A_742 = tpu.vector_load_idx %arg8[%add3A_740, %add3A_741] : memref<336x128xf32, #tpu.memory_space<vmem>>[vector<16xi32>, vector<16xi32>], vector<16xf32>,
        %add3A_743 = arith.constant 10 : i32
        %add3A_744 = vector.broadcast %add3A_743 : i32 to vector<16xi32>
        %add3A_745 = arith.addi %mul3A_5, %add3A_744 : vector<16xi32>
        %add3A_746 = arith.addi %gather3A_318, %and3A_685 : vector<16xi32>
        %gather3A_747 = tpu.vector_load_idx %arg8[%add3A_745, %add3A_746] : memref<336x128xf32, #tpu.memory_space<vmem>>[vector<16xi32>, vector<16xi32>], vector<16xf32>,
        %add3A_748 = arith.constant 11 : i32
        %add3A_749 = vector.broadcast %add3A_748 : i32 to vector<16xi32>
        %add3A_750 = arith.addi %mul3A_5, %add3A_749 : vector<16xi32>
        %add3A_751 = arith.addi %gather3A_334, %and3A_685 : vector<16xi32>
        %gather3A_752 = tpu.vector_load_idx %arg8[%add3A_750, %add3A_751] : memref<336x128xf32, #tpu.memory_space<vmem>>[vector<16xi32>, vector<16xi32>], vector<16xf32>,
        %add3A_753 = arith.constant 12 : i32
        %add3A_754 = vector.broadcast %add3A_753 : i32 to vector<16xi32>
        %add3A_755 = arith.addi %mul3A_5, %add3A_754 : vector<16xi32>
        %add3A_756 = arith.addi %gather3A_350, %and3A_685 : vector<16xi32>
        %gather3A_757 = tpu.vector_load_idx %arg8[%add3A_755, %add3A_756] : memref<336x128xf32, #tpu.memory_space<vmem>>[vector<16xi32>, vector<16xi32>], vector<16xf32>,
        %add3A_758 = arith.constant 13 : i32
        %add3A_759 = vector.broadcast %add3A_758 : i32 to vector<16xi32>
        %add3A_760 = arith.addi %mul3A_5, %add3A_759 : vector<16xi32>
        %add3A_761 = arith.addi %gather3A_366, %and3A_685 : vector<16xi32>
        %gather3A_762 = tpu.vector_load_idx %arg8[%add3A_760, %add3A_761] : memref<336x128xf32, #tpu.memory_space<vmem>>[vector<16xi32>, vector<16xi32>], vector<16xf32>,
        %add3A_763 = arith.constant 14 : i32
        %add3A_764 = vector.broadcast %add3A_763 : i32 to vector<16xi32>
        %add3A_765 = arith.addi %mul3A_5, %add3A_764 : vector<16xi32>
        %add3A_766 = arith.addi %gather3A_382, %and3A_685 : vector<16xi32>
        %gather3A_767 = tpu.vector_load_idx %arg8[%add3A_765, %add3A_766] : memref<336x128xf32, #tpu.memory_space<vmem>>[vector<16xi32>, vector<16xi32>], vector<16xf32>,
        %add3A_768 = arith.constant 15 : i32
        %add3A_769 = vector.broadcast %add3A_768 : i32 to vector<16xi32>
        %add3A_770 = arith.addi %mul3A_5, %add3A_769 : vector<16xi32>
        %add3A_771 = arith.addi %gather3A_398, %and3A_685 : vector<16xi32>
        %gather3A_772 = tpu.vector_load_idx %arg8[%add3A_770, %add3A_771] : memref<336x128xf32, #tpu.memory_space<vmem>>[vector<16xi32>, vector<16xi32>], vector<16xf32>,
        %add3A_773 = arith.constant 16 : i32
        %add3A_774 = vector.broadcast %add3A_773 : i32 to vector<16xi32>
        %add3A_775 = arith.addi %mul3A_5, %add3A_774 : vector<16xi32>
        %add3A_776 = arith.addi %gather3A_414, %and3A_685 : vector<16xi32>
        %gather3A_777 = tpu.vector_load_idx %arg8[%add3A_775, %add3A_776] : memref<336x128xf32, #tpu.memory_space<vmem>>[vector<16xi32>, vector<16xi32>], vector<16xf32>,
        %add3A_778 = arith.constant 17 : i32
        %add3A_779 = vector.broadcast %add3A_778 : i32 to vector<16xi32>
        %add3A_780 = arith.addi %mul3A_5, %add3A_779 : vector<16xi32>
        %add3A_781 = arith.addi %gather3A_430, %and3A_685 : vector<16xi32>
        %gather3A_782 = tpu.vector_load_idx %arg8[%add3A_780, %add3A_781] : memref<336x128xf32, #tpu.memory_space<vmem>>[vector<16xi32>, vector<16xi32>], vector<16xf32>,
        %add3A_783 = arith.constant 18 : i32
        %add3A_784 = vector.broadcast %add3A_783 : i32 to vector<16xi32>
        %add3A_785 = arith.addi %mul3A_5, %add3A_784 : vector<16xi32>
        %add3A_786 = arith.addi %gather3A_446, %and3A_685 : vector<16xi32>
        %gather3A_787 = tpu.vector_load_idx %arg8[%add3A_785, %add3A_786] : memref<336x128xf32, #tpu.memory_space<vmem>>[vector<16xi32>, vector<16xi32>], vector<16xf32>,
        %add3A_788 = arith.constant 19 : i32
        %add3A_789 = vector.broadcast %add3A_788 : i32 to vector<16xi32>
        %add3A_790 = arith.addi %mul3A_5, %add3A_789 : vector<16xi32>
        %add3A_791 = arith.addi %gather3A_462, %and3A_685 : vector<16xi32>
        %gather3A_792 = tpu.vector_load_idx %arg8[%add3A_790, %add3A_791] : memref<336x128xf32, #tpu.memory_space<vmem>>[vector<16xi32>, vector<16xi32>], vector<16xf32>,
        %mul3A_793 = arith.mulf %gather3A_687, %gather3A_692 : vector<16xf32>
        %add3A_794 = arith.addf %scan3A_660, %mul3A_793 : vector<16xf32>
        %mul3A_795 = arith.mulf %gather3A_687, %gather3A_697 : vector<16xf32>
        %add3A_796 = arith.addf %scan3A_661, %mul3A_795 : vector<16xf32>
        %mul3A_797 = arith.mulf %gather3A_687, %gather3A_702 : vector<16xf32>
        %add3A_798 = arith.addf %scan3A_662, %mul3A_797 : vector<16xf32>
        %mul3A_799 = arith.mulf %gather3A_687, %gather3A_707 : vector<16xf32>
        %add3A_800 = arith.addf %scan3A_663, %mul3A_799 : vector<16xf32>
        %mul3A_801 = arith.mulf %gather3A_687, %gather3A_712 : vector<16xf32>
        %add3A_802 = arith.addf %scan3A_664, %mul3A_801 : vector<16xf32>
        %mul3A_803 = arith.mulf %gather3A_687, %gather3A_717 : vector<16xf32>
        %add3A_804 = arith.addf %scan3A_665, %mul3A_803 : vector<16xf32>
        %mul3A_805 = arith.mulf %gather3A_687, %gather3A_722 : vector<16xf32>
        %add3A_806 = arith.addf %scan3A_666, %mul3A_805 : vector<16xf32>
        %mul3A_807 = arith.mulf %gather3A_687, %gather3A_727 : vector<16xf32>
        %add3A_808 = arith.addf %scan3A_667, %mul3A_807 : vector<16xf32>
        %mul3A_809 = arith.mulf %gather3A_687, %gather3A_732 : vector<16xf32>
        %add3A_810 = arith.addf %scan3A_668, %mul3A_809 : vector<16xf32>
        %mul3A_811 = arith.mulf %gather3A_687, %gather3A_737 : vector<16xf32>
        %add3A_812 = arith.addf %scan3A_669, %mul3A_811 : vector<16xf32>
        %mul3A_813 = arith.mulf %gather3A_687, %gather3A_742 : vector<16xf32>
        %add3A_814 = arith.addf %scan3A_670, %mul3A_813 : vector<16xf32>
        %mul3A_815 = arith.mulf %gather3A_687, %gather3A_747 : vector<16xf32>
        %add3A_816 = arith.addf %scan3A_671, %mul3A_815 : vector<16xf32>
        %mul3A_817 = arith.mulf %gather3A_687, %gather3A_752 : vector<16xf32>
        %add3A_818 = arith.addf %scan3A_672, %mul3A_817 : vector<16xf32>
        %mul3A_819 = arith.mulf %gather3A_687, %gather3A_757 : vector<16xf32>
        %add3A_820 = arith.addf %scan3A_673, %mul3A_819 : vector<16xf32>
        %mul3A_821 = arith.mulf %gather3A_687, %gather3A_762 : vector<16xf32>
        %add3A_822 = arith.addf %scan3A_674, %mul3A_821 : vector<16xf32>
        %mul3A_823 = arith.mulf %gather3A_687, %gather3A_767 : vector<16xf32>
        %add3A_824 = arith.addf %scan3A_675, %mul3A_823 : vector<16xf32>
        %mul3A_825 = arith.mulf %gather3A_687, %gather3A_772 : vector<16xf32>
        %add3A_826 = arith.addf %scan3A_676, %mul3A_825 : vector<16xf32>
        %mul3A_827 = arith.mulf %gather3A_687, %gather3A_777 : vector<16xf32>
        %add3A_828 = arith.addf %scan3A_677, %mul3A_827 : vector<16xf32>
        %mul3A_829 = arith.mulf %gather3A_687, %gather3A_782 : vector<16xf32>
        %add3A_830 = arith.addf %scan3A_678, %mul3A_829 : vector<16xf32>
        %mul3A_831 = arith.mulf %gather3A_687, %gather3A_787 : vector<16xf32>
        %add3A_832 = arith.addf %scan3A_679, %mul3A_831 : vector<16xf32>
        %mul3A_833 = arith.mulf %gather3A_687, %gather3A_792 : vector<16xf32>
        %add3A_834 = arith.addf %scan3A_680, %mul3A_833 : vector<16xf32>
        scf.yield %add3A_794, %add3A_796, %add3A_798, %add3A_800, %add3A_802, %add3A_804, %add3A_806, %add3A_808, %add3A_810, %add3A_812, %add3A_814, %add3A_816, %add3A_818, %add3A_820, %add3A_822, %add3A_824, %add3A_826, %add3A_828, %add3A_830, %add3A_832, %add3A_834 : vector<16xf32>, vector<16xf32>, vector<16xf32>, vector<16xf32>, vector<16xf32>, vector<16xf32>, vector<16xf32>, vector<16xf32>, vector<16xf32>, vector<16xf32>, vector<16xf32>, vector<16xf32>, vector<16xf32>, vector<16xf32>, vector<16xf32>, vector<16xf32>, vector<16xf32>, vector<16xf32>, vector<16xf32>, vector<16xf32>, vector<16xf32>
      }
      %scan3A_469 = arith.constant 64 : i32
      %jit3A_470 = arith.constant 8 : i32
      %div3A_471 = arith.divsi %scan3A_42, %jit3A_470 : i32
      %sign3A_472 = arith.constant 0 : i32
      %sign3A_473 = arith.cmpi sgt, %scan3A_42, %sign3A_472 : i32
      %sign3A_474 = arith.extui %sign3A_473 : i1 to i32
      %sign3A_475 = arith.constant 0 : i32
      %sign3A_476 = arith.cmpi slt, %scan3A_42, %sign3A_475 : i32
      %sign3A_477 = arith.extui %sign3A_476 : i1 to i32
      %sign3A_478 = arith.subi %sign3A_474, %sign3A_477 : i32
      %sign3A_479 = arith.constant 0 : i32
      %sign3A_480 = arith.cmpi sgt, %jit3A_470, %sign3A_479 : i32
      %sign3A_481 = arith.extui %sign3A_480 : i1 to i32
      %sign3A_482 = arith.constant 0 : i32
      %sign3A_483 = arith.cmpi slt, %jit3A_470, %sign3A_482 : i32
      %sign3A_484 = arith.extui %sign3A_483 : i1 to i32
      %sign3A_485 = arith.subi %sign3A_481, %sign3A_484 : i32
      %ne3A_486 = arith.cmpi ne, %sign3A_478, %sign3A_485 : i32
      %rem3A_487 = arith.remsi %scan3A_42, %jit3A_470 : i32
      %ne3A_488 = arith.constant 0 : i32
      %ne3A_489 = arith.cmpi ne, %rem3A_487, %ne3A_488 : i32
      %and3A_490 = arith.andi %ne3A_486, %ne3A_489 : i1
      %sub3A_491 = arith.constant 1 : i32
      %sub3A_492 = arith.subi %div3A_471, %sub3A_491 : i32
      %select_n3A_493 = arith.select %and3A_490, %sub3A_492, %div3A_471 : i32
      %and3A_494 = arith.constant 7 : i32
      %and3A_495 = arith.andi %scan3A_42, %and3A_494 : i32
      %mul3A_496 = arith.constant 16 : i32
      %mul3A_497 = arith.muli %and3A_495, %mul3A_496 : i32
      %swap3A = arith.index_cast %select_n3A_493 : i32 to index
      %swap3A_498 = arith.index_cast %mul3A_497 : i32 to index
      %swap3A_499 = tpu.vector_load %arg9[%swap3A, %swap3A_498] {strides = array<i32>} : memref<84x128xf32, #tpu.memory_space<vmem>>, vector<16xf32>,
      tpu.vector_store %arg9[%swap3A, %swap3A_498], %scan3A_468#0 {strides = array<i32>} : memref<84x128xf32, #tpu.memory_space<vmem>>, vector<16xf32>,
      %neg3A = arith.constant 0.000000e+00 : f32
      %neg3A_500 = vector.broadcast %neg3A : f32 to vector<16xf32>
      %neg3A_501 = arith.subf %neg3A_500, %scan3A_468#1 : vector<16xf32>
      %add3A_502 = arith.constant 4 : i32
      %add3A_503 = arith.addi %add3A_502, %select_n3A_493 : i32
      %swap3A_504 = arith.index_cast %add3A_503 : i32 to index
      %swap3A_505 = arith.index_cast %mul3A_497 : i32 to index
      %swap3A_506 = tpu.vector_load %arg9[%swap3A_504, %swap3A_505] {strides = array<i32>} : memref<84x128xf32, #tpu.memory_space<vmem>>, vector<16xf32>,
      tpu.vector_store %arg9[%swap3A_504, %swap3A_505], %neg3A_501 {strides = array<i32>} : memref<84x128xf32, #tpu.memory_space<vmem>>, vector<16xf32>,
      %neg3A_507 = arith.constant 0.000000e+00 : f32
      %neg3A_508 = vector.broadcast %neg3A_507 : f32 to vector<16xf32>
      %neg3A_509 = arith.subf %neg3A_508, %scan3A_468#2 : vector<16xf32>
      %add3A_510 = arith.constant 8 : i32
      %add3A_511 = arith.addi %add3A_510, %select_n3A_493 : i32
      %swap3A_512 = arith.index_cast %add3A_511 : i32 to index
      %swap3A_513 = arith.index_cast %mul3A_497 : i32 to index
      %swap3A_514 = tpu.vector_load %arg9[%swap3A_512, %swap3A_513] {strides = array<i32>} : memref<84x128xf32, #tpu.memory_space<vmem>>, vector<16xf32>,
      tpu.vector_store %arg9[%swap3A_512, %swap3A_513], %neg3A_509 {strides = array<i32>} : memref<84x128xf32, #tpu.memory_space<vmem>>, vector<16xf32>,
      %neg3A_515 = arith.constant 0.000000e+00 : f32
      %neg3A_516 = vector.broadcast %neg3A_515 : f32 to vector<16xf32>
      %neg3A_517 = arith.subf %neg3A_516, %scan3A_468#3 : vector<16xf32>
      %add3A_518 = arith.constant 12 : i32
      %add3A_519 = arith.addi %add3A_518, %select_n3A_493 : i32
      %swap3A_520 = arith.index_cast %add3A_519 : i32 to index
      %swap3A_521 = arith.index_cast %mul3A_497 : i32 to index
      %swap3A_522 = tpu.vector_load %arg9[%swap3A_520, %swap3A_521] {strides = array<i32>} : memref<84x128xf32, #tpu.memory_space<vmem>>, vector<16xf32>,
      tpu.vector_store %arg9[%swap3A_520, %swap3A_521], %neg3A_517 {strides = array<i32>} : memref<84x128xf32, #tpu.memory_space<vmem>>, vector<16xf32>,
      %neg3A_523 = arith.constant 0.000000e+00 : f32
      %neg3A_524 = vector.broadcast %neg3A_523 : f32 to vector<16xf32>
      %neg3A_525 = arith.subf %neg3A_524, %scan3A_468#4 : vector<16xf32>
      %add3A_526 = arith.constant 16 : i32
      %add3A_527 = arith.addi %add3A_526, %select_n3A_493 : i32
      %swap3A_528 = arith.index_cast %add3A_527 : i32 to index
      %swap3A_529 = arith.index_cast %mul3A_497 : i32 to index
      %swap3A_530 = tpu.vector_load %arg9[%swap3A_528, %swap3A_529] {strides = array<i32>} : memref<84x128xf32, #tpu.memory_space<vmem>>, vector<16xf32>,
      tpu.vector_store %arg9[%swap3A_528, %swap3A_529], %neg3A_525 {strides = array<i32>} : memref<84x128xf32, #tpu.memory_space<vmem>>, vector<16xf32>,
      %neg3A_531 = arith.constant 0.000000e+00 : f32
      %neg3A_532 = vector.broadcast %neg3A_531 : f32 to vector<16xf32>
      %neg3A_533 = arith.subf %neg3A_532, %scan3A_468#5 : vector<16xf32>
      %add3A_534 = arith.constant 20 : i32
      %add3A_535 = arith.addi %add3A_534, %select_n3A_493 : i32
      %swap3A_536 = arith.index_cast %add3A_535 : i32 to index
      %swap3A_537 = arith.index_cast %mul3A_497 : i32 to index
      %swap3A_538 = tpu.vector_load %arg9[%swap3A_536, %swap3A_537] {strides = array<i32>} : memref<84x128xf32, #tpu.memory_space<vmem>>, vector<16xf32>,
      tpu.vector_store %arg9[%swap3A_536, %swap3A_537], %neg3A_533 {strides = array<i32>} : memref<84x128xf32, #tpu.memory_space<vmem>>, vector<16xf32>,
      %neg3A_539 = arith.constant 0.000000e+00 : f32
      %neg3A_540 = vector.broadcast %neg3A_539 : f32 to vector<16xf32>
      %neg3A_541 = arith.subf %neg3A_540, %scan3A_468#6 : vector<16xf32>
      %add3A_542 = arith.constant 24 : i32
      %add3A_543 = arith.addi %add3A_542, %select_n3A_493 : i32
      %swap3A_544 = arith.index_cast %add3A_543 : i32 to index
      %swap3A_545 = arith.index_cast %mul3A_497 : i32 to index
      %swap3A_546 = tpu.vector_load %arg9[%swap3A_544, %swap3A_545] {strides = array<i32>} : memref<84x128xf32, #tpu.memory_space<vmem>>, vector<16xf32>,
      tpu.vector_store %arg9[%swap3A_544, %swap3A_545], %neg3A_541 {strides = array<i32>} : memref<84x128xf32, #tpu.memory_space<vmem>>, vector<16xf32>,
      %neg3A_547 = arith.constant 0.000000e+00 : f32
      %neg3A_548 = vector.broadcast %neg3A_547 : f32 to vector<16xf32>
      %neg3A_549 = arith.subf %neg3A_548, %scan3A_468#7 : vector<16xf32>
      %add3A_550 = arith.constant 28 : i32
      %add3A_551 = arith.addi %add3A_550, %select_n3A_493 : i32
      %swap3A_552 = arith.index_cast %add3A_551 : i32 to index
      %swap3A_553 = arith.index_cast %mul3A_497 : i32 to index
      %swap3A_554 = tpu.vector_load %arg9[%swap3A_552, %swap3A_553] {strides = array<i32>} : memref<84x128xf32, #tpu.memory_space<vmem>>, vector<16xf32>,
      tpu.vector_store %arg9[%swap3A_552, %swap3A_553], %neg3A_549 {strides = array<i32>} : memref<84x128xf32, #tpu.memory_space<vmem>>, vector<16xf32>,
      %neg3A_555 = arith.constant 0.000000e+00 : f32
      %neg3A_556 = vector.broadcast %neg3A_555 : f32 to vector<16xf32>
      %neg3A_557 = arith.subf %neg3A_556, %scan3A_468#8 : vector<16xf32>
      %add3A_558 = arith.constant 32 : i32
      %add3A_559 = arith.addi %add3A_558, %select_n3A_493 : i32
      %swap3A_560 = arith.index_cast %add3A_559 : i32 to index
      %swap3A_561 = arith.index_cast %mul3A_497 : i32 to index
      %swap3A_562 = tpu.vector_load %arg9[%swap3A_560, %swap3A_561] {strides = array<i32>} : memref<84x128xf32, #tpu.memory_space<vmem>>, vector<16xf32>,
      tpu.vector_store %arg9[%swap3A_560, %swap3A_561], %neg3A_557 {strides = array<i32>} : memref<84x128xf32, #tpu.memory_space<vmem>>, vector<16xf32>,
      %neg3A_563 = arith.constant 0.000000e+00 : f32
      %neg3A_564 = vector.broadcast %neg3A_563 : f32 to vector<16xf32>
      %neg3A_565 = arith.subf %neg3A_564, %scan3A_468#9 : vector<16xf32>
      %add3A_566 = arith.constant 36 : i32
      %add3A_567 = arith.addi %add3A_566, %select_n3A_493 : i32
      %swap3A_568 = arith.index_cast %add3A_567 : i32 to index
      %swap3A_569 = arith.index_cast %mul3A_497 : i32 to index
      %swap3A_570 = tpu.vector_load %arg9[%swap3A_568, %swap3A_569] {strides = array<i32>} : memref<84x128xf32, #tpu.memory_space<vmem>>, vector<16xf32>,
      tpu.vector_store %arg9[%swap3A_568, %swap3A_569], %neg3A_565 {strides = array<i32>} : memref<84x128xf32, #tpu.memory_space<vmem>>, vector<16xf32>,
      %neg3A_571 = arith.constant 0.000000e+00 : f32
      %neg3A_572 = vector.broadcast %neg3A_571 : f32 to vector<16xf32>
      %neg3A_573 = arith.subf %neg3A_572, %scan3A_468#10 : vector<16xf32>
      %add3A_574 = arith.constant 40 : i32
      %add3A_575 = arith.addi %add3A_574, %select_n3A_493 : i32
      %swap3A_576 = arith.index_cast %add3A_575 : i32 to index
      %swap3A_577 = arith.index_cast %mul3A_497 : i32 to index
      %swap3A_578 = tpu.vector_load %arg9[%swap3A_576, %swap3A_577] {strides = array<i32>} : memref<84x128xf32, #tpu.memory_space<vmem>>, vector<16xf32>,
      tpu.vector_store %arg9[%swap3A_576, %swap3A_577], %neg3A_573 {strides = array<i32>} : memref<84x128xf32, #tpu.memory_space<vmem>>, vector<16xf32>,
      %neg3A_579 = arith.constant 0.000000e+00 : f32
      %neg3A_580 = vector.broadcast %neg3A_579 : f32 to vector<16xf32>
      %neg3A_581 = arith.subf %neg3A_580, %scan3A_468#11 : vector<16xf32>
      %add3A_582 = arith.constant 44 : i32
      %add3A_583 = arith.addi %add3A_582, %select_n3A_493 : i32
      %swap3A_584 = arith.index_cast %add3A_583 : i32 to index
      %swap3A_585 = arith.index_cast %mul3A_497 : i32 to index
      %swap3A_586 = tpu.vector_load %arg9[%swap3A_584, %swap3A_585] {strides = array<i32>} : memref<84x128xf32, #tpu.memory_space<vmem>>, vector<16xf32>,
      tpu.vector_store %arg9[%swap3A_584, %swap3A_585], %neg3A_581 {strides = array<i32>} : memref<84x128xf32, #tpu.memory_space<vmem>>, vector<16xf32>,
      %neg3A_587 = arith.constant 0.000000e+00 : f32
      %neg3A_588 = vector.broadcast %neg3A_587 : f32 to vector<16xf32>
      %neg3A_589 = arith.subf %neg3A_588, %scan3A_468#12 : vector<16xf32>
      %add3A_590 = arith.constant 48 : i32
      %add3A_591 = arith.addi %add3A_590, %select_n3A_493 : i32
      %swap3A_592 = arith.index_cast %add3A_591 : i32 to index
      %swap3A_593 = arith.index_cast %mul3A_497 : i32 to index
      %swap3A_594 = tpu.vector_load %arg9[%swap3A_592, %swap3A_593] {strides = array<i32>} : memref<84x128xf32, #tpu.memory_space<vmem>>, vector<16xf32>,
      tpu.vector_store %arg9[%swap3A_592, %swap3A_593], %neg3A_589 {strides = array<i32>} : memref<84x128xf32, #tpu.memory_space<vmem>>, vector<16xf32>,
      %neg3A_595 = arith.constant 0.000000e+00 : f32
      %neg3A_596 = vector.broadcast %neg3A_595 : f32 to vector<16xf32>
      %neg3A_597 = arith.subf %neg3A_596, %scan3A_468#13 : vector<16xf32>
      %add3A_598 = arith.constant 52 : i32
      %add3A_599 = arith.addi %add3A_598, %select_n3A_493 : i32
      %swap3A_600 = arith.index_cast %add3A_599 : i32 to index
      %swap3A_601 = arith.index_cast %mul3A_497 : i32 to index
      %swap3A_602 = tpu.vector_load %arg9[%swap3A_600, %swap3A_601] {strides = array<i32>} : memref<84x128xf32, #tpu.memory_space<vmem>>, vector<16xf32>,
      tpu.vector_store %arg9[%swap3A_600, %swap3A_601], %neg3A_597 {strides = array<i32>} : memref<84x128xf32, #tpu.memory_space<vmem>>, vector<16xf32>,
      %neg3A_603 = arith.constant 0.000000e+00 : f32
      %neg3A_604 = vector.broadcast %neg3A_603 : f32 to vector<16xf32>
      %neg3A_605 = arith.subf %neg3A_604, %scan3A_468#14 : vector<16xf32>
      %add3A_606 = arith.constant 56 : i32
      %add3A_607 = arith.addi %add3A_606, %select_n3A_493 : i32
      %swap3A_608 = arith.index_cast %add3A_607 : i32 to index
      %swap3A_609 = arith.index_cast %mul3A_497 : i32 to index
      %swap3A_610 = tpu.vector_load %arg9[%swap3A_608, %swap3A_609] {strides = array<i32>} : memref<84x128xf32, #tpu.memory_space<vmem>>, vector<16xf32>,
      tpu.vector_store %arg9[%swap3A_608, %swap3A_609], %neg3A_605 {strides = array<i32>} : memref<84x128xf32, #tpu.memory_space<vmem>>, vector<16xf32>,
      %neg3A_611 = arith.constant 0.000000e+00 : f32
      %neg3A_612 = vector.broadcast %neg3A_611 : f32 to vector<16xf32>
      %neg3A_613 = arith.subf %neg3A_612, %scan3A_468#15 : vector<16xf32>
      %add3A_614 = arith.constant 60 : i32
      %add3A_615 = arith.addi %add3A_614, %select_n3A_493 : i32
      %swap3A_616 = arith.index_cast %add3A_615 : i32 to index
      %swap3A_617 = arith.index_cast %mul3A_497 : i32 to index
      %swap3A_618 = tpu.vector_load %arg9[%swap3A_616, %swap3A_617] {strides = array<i32>} : memref<84x128xf32, #tpu.memory_space<vmem>>, vector<16xf32>,
      tpu.vector_store %arg9[%swap3A_616, %swap3A_617], %neg3A_613 {strides = array<i32>} : memref<84x128xf32, #tpu.memory_space<vmem>>, vector<16xf32>,
      %neg3A_619 = arith.constant 0.000000e+00 : f32
      %neg3A_620 = vector.broadcast %neg3A_619 : f32 to vector<16xf32>
      %neg3A_621 = arith.subf %neg3A_620, %scan3A_468#16 : vector<16xf32>
      %add3A_622 = arith.constant 64 : i32
      %add3A_623 = arith.addi %add3A_622, %select_n3A_493 : i32
      %swap3A_624 = arith.index_cast %add3A_623 : i32 to index
      %swap3A_625 = arith.index_cast %mul3A_497 : i32 to index
      %swap3A_626 = tpu.vector_load %arg9[%swap3A_624, %swap3A_625] {strides = array<i32>} : memref<84x128xf32, #tpu.memory_space<vmem>>, vector<16xf32>,
      tpu.vector_store %arg9[%swap3A_624, %swap3A_625], %neg3A_621 {strides = array<i32>} : memref<84x128xf32, #tpu.memory_space<vmem>>, vector<16xf32>,
      %neg3A_627 = arith.constant 0.000000e+00 : f32
      %neg3A_628 = vector.broadcast %neg3A_627 : f32 to vector<16xf32>
      %neg3A_629 = arith.subf %neg3A_628, %scan3A_468#17 : vector<16xf32>
      %add3A_630 = arith.constant 68 : i32
      %add3A_631 = arith.addi %add3A_630, %select_n3A_493 : i32
      %swap3A_632 = arith.index_cast %add3A_631 : i32 to index
      %swap3A_633 = arith.index_cast %mul3A_497 : i32 to index
      %swap3A_634 = tpu.vector_load %arg9[%swap3A_632, %swap3A_633] {strides = array<i32>} : memref<84x128xf32, #tpu.memory_space<vmem>>, vector<16xf32>,
      tpu.vector_store %arg9[%swap3A_632, %swap3A_633], %neg3A_629 {strides = array<i32>} : memref<84x128xf32, #tpu.memory_space<vmem>>, vector<16xf32>,
      %neg3A_635 = arith.constant 0.000000e+00 : f32
      %neg3A_636 = vector.broadcast %neg3A_635 : f32 to vector<16xf32>
      %neg3A_637 = arith.subf %neg3A_636, %scan3A_468#18 : vector<16xf32>
      %add3A_638 = arith.constant 72 : i32
      %add3A_639 = arith.addi %add3A_638, %select_n3A_493 : i32
      %swap3A_640 = arith.index_cast %add3A_639 : i32 to index
      %swap3A_641 = arith.index_cast %mul3A_497 : i32 to index
      %swap3A_642 = tpu.vector_load %arg9[%swap3A_640, %swap3A_641] {strides = array<i32>} : memref<84x128xf32, #tpu.memory_space<vmem>>, vector<16xf32>,
      tpu.vector_store %arg9[%swap3A_640, %swap3A_641], %neg3A_637 {strides = array<i32>} : memref<84x128xf32, #tpu.memory_space<vmem>>, vector<16xf32>,
      %neg3A_643 = arith.constant 0.000000e+00 : f32
      %neg3A_644 = vector.broadcast %neg3A_643 : f32 to vector<16xf32>
      %neg3A_645 = arith.subf %neg3A_644, %scan3A_468#19 : vector<16xf32>
      %add3A_646 = arith.constant 76 : i32
      %add3A_647 = arith.addi %add3A_646, %select_n3A_493 : i32
      %swap3A_648 = arith.index_cast %add3A_647 : i32 to index
      %swap3A_649 = arith.index_cast %mul3A_497 : i32 to index
      %swap3A_650 = tpu.vector_load %arg9[%swap3A_648, %swap3A_649] {strides = array<i32>} : memref<84x128xf32, #tpu.memory_space<vmem>>, vector<16xf32>,
      tpu.vector_store %arg9[%swap3A_648, %swap3A_649], %neg3A_645 {strides = array<i32>} : memref<84x128xf32, #tpu.memory_space<vmem>>, vector<16xf32>,
      %neg3A_651 = arith.constant 0.000000e+00 : f32
      %neg3A_652 = vector.broadcast %neg3A_651 : f32 to vector<16xf32>
      %neg3A_653 = arith.subf %neg3A_652, %scan3A_468#20 : vector<16xf32>
      %add3A_654 = arith.constant 80 : i32
      %add3A_655 = arith.addi %add3A_654, %select_n3A_493 : i32
      %swap3A_656 = arith.index_cast %add3A_655 : i32 to index
      %swap3A_657 = arith.index_cast %mul3A_497 : i32 to index
      %swap3A_658 = tpu.vector_load %arg9[%swap3A_656, %swap3A_657] {strides = array<i32>} : memref<84x128xf32, #tpu.memory_space<vmem>>, vector<16xf32>,
      tpu.vector_store %arg9[%swap3A_656, %swap3A_657], %neg3A_653 {strides = array<i32>} : memref<84x128xf32, #tpu.memory_space<vmem>>, vector<16xf32>,
    }
    %scan3A_39 = arith.constant 32 : i32
    %mul3A_40 = arith.constant 84 : i32
    %mul3A_41 = arith.muli %add3A, %mul3A_40 : i32
    "tpu.region"() ({
      %run_scoped3A = tpu.sem_alloc : memref<!tpu.dma_semaphore, #tpu.memory_space<semaphore_mem>>
      %dma_start3A = arith.constant 0 : i32
      %dma_start3A_42 = tpu.memref_slice %arg5[%mul3A_41, %dma_start3A] : memref<2688x128xf32, #tpu.memory_space<hbm>> -> memref<84x128xf32, #tpu.memory_space<hbm>>
      %dma_start3A_43 = arith.constant 0 : i32
      %dma_start3A_44 = tpu.memref_slice %arg5[%mul3A_41, %dma_start3A_43] : memref<2688x128xf32, #tpu.memory_space<hbm>> -> memref<84x128xf32, #tpu.memory_space<hbm>>
      tpu.enqueue_dma source(%arg9 : memref<84x128xf32, #tpu.memory_space<vmem>>) target(%dma_start3A_44 : memref<84x128xf32, #tpu.memory_space<hbm>>) target_semaphore(%run_scoped3A : memref<!tpu.dma_semaphore, #tpu.memory_space<semaphore_mem>>)
      %dma_wait3A = arith.constant 0 : i32
      %dma_wait3A_45 = tpu.memref_slice %arg5[%mul3A_41, %dma_wait3A] : memref<2688x128xf32, #tpu.memory_space<hbm>> -> memref<84x128xf32, #tpu.memory_space<hbm>>
      %dma_wait3A_46 = arith.constant 0 : i32
      %dma_wait3A_47 = tpu.memref_slice %arg5[%mul3A_41, %dma_wait3A_46] : memref<2688x128xf32, #tpu.memory_space<hbm>> -> memref<84x128xf32, #tpu.memory_space<hbm>>
      tpu.wait_dma2 semaphore(%run_scoped3A : memref<!tpu.dma_semaphore, #tpu.memory_space<semaphore_mem>>) src(%arg9 : memref<84x128xf32, #tpu.memory_space<vmem>>) dst(%dma_wait3A_47 : memref<84x128xf32, #tpu.memory_space<hbm>>)
      tpu.yield
    }) : () -> ()
    return
  }
}

module attributes {stable_mosaic.version = 14 : i64} {
  func.func @body(%arg0: i32, %arg1: memref<64x2x2048xf32, #tpu.memory_space<vmem>>, %arg2: memref<2048x128xf32, #tpu.memory_space<vmem>>) attributes {dimension_semantics = [#tpu.dimension_semantics<arbitrary>], iteration_bounds = array<i64: 245>, scalar_prefetch = 0 : i64, scratch_operands = 0 : i64, tpu.core_type = #tpu.core_type<tc>, window_params = [{transform_indices = @transform_0, window_bounds = array<i64: 64, 2, 2048>}, {transform_indices = @transform_1, window_bounds = array<i64: 2048, 128>}]} {
    %get3A = arith.constant 0 : index
    %get3A_0 = arith.constant 0 : index
    %get3A_1 = arith.constant 0 : index
    %get3A_2 = vector.load %arg1[%get3A, %get3A_0, %get3A_1] : memref<64x2x2048xf32, #tpu.memory_space<vmem>>, vector<64x1x2048xf32>
    %get3A_3 = vector.shape_cast %get3A_2 : vector<64x1x2048xf32> to vector<64x2048xf32>
    %transpose3A = tpu.transpose %get3A_3, [1, 0] : vector<64x2048xf32> -> vector<2048x64xf32>
    %swap3A = arith.constant 0 : index
    %swap3A_4 = arith.constant 0 : index
    %swap3A_5 = vector.load %arg2[%swap3A, %swap3A_4] : memref<2048x128xf32, #tpu.memory_space<vmem>>, vector<2048x64xf32>
    tpu.vector_store %arg2[%swap3A, %swap3A_4], %transpose3A {strides = array<i32>} : memref<2048x128xf32, #tpu.memory_space<vmem>>, vector<2048x64xf32>,
    %get3A_6 = arith.constant 0 : index
    %get3A_7 = arith.constant 1 : index
    %get3A_8 = arith.constant 0 : index
    %get3A_9 = vector.load %arg1[%get3A_6, %get3A_7, %get3A_8] : memref<64x2x2048xf32, #tpu.memory_space<vmem>>, vector<64x1x2048xf32>
    %get3A_10 = vector.shape_cast %get3A_9 : vector<64x1x2048xf32> to vector<64x2048xf32>
    %transpose3A_11 = tpu.transpose %get3A_10, [1, 0] : vector<64x2048xf32> -> vector<2048x64xf32>
    %swap3A_12 = arith.constant 0 : index
    %swap3A_13 = arith.constant 64 : index
    %swap3A_14 = vector.load %arg2[%swap3A_12, %swap3A_13] : memref<2048x128xf32, #tpu.memory_space<vmem>>, vector<2048x64xf32>
    tpu.vector_store %arg2[%swap3A_12, %swap3A_13], %transpose3A_11 {strides = array<i32>} : memref<2048x128xf32, #tpu.memory_space<vmem>>, vector<2048x64xf32>,
    return
  }
  func.func @transform_0(%arg0: i32) -> (i32, i32, i32) {
    %c0_i32 = arith.constant 0 : i32
    %c0_i32_0 = arith.constant 0 : i32
    %c0_i32_1 = arith.constant 0 : i32
    return %c0_i32, %c0_i32_0, %arg0 : i32, i32, i32
  }
  func.func @transform_1(%arg0: i32) -> (i32, i32) {
    %c0_i32 = arith.constant 0 : i32
    %c0_i32_0 = arith.constant 0 : i32
    return %arg0, %c0_i32 : i32, i32
  }
}

module attributes {stable_mosaic.version = 14 : i64} {
  func.func @body(%arg0: memref<2688x128xf32, #tpu.memory_space<vmem>>, %arg1: memref<1x1xf32, #tpu.memory_space<vmem>>) attributes {dimension_semantics = [], scalar_prefetch = 0 : i64, scratch_operands = 0 : i64, tpu.core_type = #tpu.core_type<tc>} {
    %get3A = arith.constant 0 : index
    %get3A_0 = arith.constant 0 : index
    %get3A_1 = vector.load %arg0[%get3A, %get3A_0] : memref<2688x128xf32, #tpu.memory_space<vmem>>, vector<2688x128xf32>
    %min3A = arith.constant 0.000000e+00 : f32
    %min3A_2 = vector.broadcast %min3A : f32 to vector<2688x128xf32>
    %min3A_3 = arith.minimumf %get3A_1, %min3A_2 : vector<2688x128xf32>
    %abs3A = math.absf %get3A_1 : vector<2688x128xf32>
    %neg3A = arith.constant 0.000000e+00 : f32
    %neg3A_4 = vector.broadcast %neg3A : f32 to vector<2688x128xf32>
    %neg3A_5 = arith.subf %neg3A_4, %abs3A : vector<2688x128xf32>
    %exp3A = math.exp %neg3A_5 : vector<2688x128xf32>
    %add3A = arith.constant 1.000000e+00 : f32
    %add3A_6 = vector.broadcast %add3A : f32 to vector<2688x128xf32>
    %add3A_7 = arith.addf %add3A_6, %exp3A : vector<2688x128xf32>
    %log3A = math.log %add3A_7 : vector<2688x128xf32>
    %sub3A = arith.subf %min3A_3, %log3A : vector<2688x128xf32>
    %reduce_sum3A = vector.shape_cast %sub3A : vector<2688x128xf32> to vector<1x2688x128xf32>
    %reduce_sum3A_8 = arith.constant dense<0.000000e+00> : vector<1xf32>
    %reduce_sum3A_9 = vector.multi_reduction <add>, %reduce_sum3A, %reduce_sum3A_8 [1, 2] : vector<1x2688x128xf32> to vector<1xf32>
    %reduce_sum3A_10 = vector.shape_cast %reduce_sum3A_9 : vector<1xf32> to vector<1x1x1xf32>
    %reduce_sum3A_11 = vector.extract %reduce_sum3A_10[0, 0, 0] : f32 from vector<1x1x1xf32>
    %neg3A_12 = arith.constant 0.000000e+00 : f32
    %neg3A_13 = arith.subf %neg3A_12, %reduce_sum3A_11 : f32
    %reshape3A = vector.broadcast %neg3A_13 : f32 to vector<1x1xf32>
    %swap3A = arith.constant 0 : index
    %swap3A_14 = arith.constant 0 : index
    %swap3A_15 = vector.load %arg1[%swap3A, %swap3A_14] : memref<1x1xf32, #tpu.memory_space<vmem>>, vector<1x1xf32>
    tpu.vector_store %arg1[%swap3A, %swap3A_14], %reshape3A {strides = array<i32>} : memref<1x1xf32, #tpu.memory_space<vmem>>, vector<1x1xf32>,
    return
  }
}

</mosaic_0001>

<sc_bundles>
// kernel: kernel.5.cloned.1.call-start
scs
__scs_entry_jumppad:
0x0: {  	(pc) =	sbr.rel $0x88, $3  }
0x1: {  	(tag) =	ssettag $0x0;
	lr =	simm.s32 $0x1  }
0x2: {  	[smem:$0x3F9D] =	sst lr;
	_ =	strace $0xD0000000  }
0x3: {  	_ = 	snop  }
0x4: {  	_ = 	snop  }
0x5: {  	_ = 	snop  }
0x6: {  	_ = 	snop  }
0x7: {  	_ = 	snop  }
__scs_overlays_trampoline_lowered:
0x8: {  	[smem:$0x3FAC] =	sst s0  }
0x9: {  	[smem:$0x3FAD] =	sst s1  }
0xa: {  	[smem:$0x3FAE] =	sst s2  }
0xb: {  	[smem:$0x3FAF] =	sst s3  }
0xc: {  	[smem:$0x3FB0] =	sst s4  }
0xd: {  	[smem:$0x3FB1] =	sst s5  }
0xe: {  	[smem:$0x3FB2] =	sst s6  }
0xf: {  	[smem:$0x3FB3] =	sst s7  }
0x10: {  	[smem:$0x3FB4] =	sst s8  }
0x11: {  	[smem:$0x3FB5] =	sst s9;
	s0 =	simm.s32 @!p0 $0x0  }
0x12: {  	s1 =	sld [smem:$0x3F9B];
	s0 =	simm.s32 @p0 $0x1  }
0x13: {  	[smem:$0x3FB6] =	sst s0;
	s0 =	simm.s32 @!p1 $0x0  }
0x14: {  	s2 =	sld [smem:$0x3F9A];
	s0 =	simm.s32 @p1 $0x1  }
0x15: {  	[smem:$0x3FB7] =	sst s0;
	s0 =	simm.s32 @!p2 $0x0  }
0x16: {  	s3 =	sld [smem:$0x3FDB];
	s0 =	simm.s32 @p2 $0x1  }
0x17: {  	s4 =	simm.s32 $0x1BF5;
	[smem:$0x3FB9] =	sst s0  }
0x18: {  	s0 =	sld [smem:$0x3F9C];
	_ =	swait.ge [sflag:s4], $0x0  }
0x19: {  	s7 =	sld [smem:$0x3F9D]  }
0x1a: {  	s8 =	sadd.s32 $0xFFFFE003, lr  }
0x1b: {  	s9 =	sadd.s32 $0xFFFFFEF7, lr;
	s5 =	simm.s32 $0xFFFFFFFF;
	p2 =	slt.u32 s8, $0xFFFFF086  }
0x1c: {  	p1 =	slt.u32 s9, $0xF7A;
	s5 =	simm.s32 @!p2 $0x0  }
0x1d: {  	s5 =	simm.s32 @p1 $0x1;
	p0 =	seq.s32 s7, s2  }
0x1e: {  	s7 =	smul.u32 @!p0 $0xF7A, s2;
	p2 =	seq.s32 @!p0 s5, $0x0  }
0x1f: {  	s9 =	smul.u32 $0xF7A, s1;
	s8 =	simm.s32 @!p0 $0x1BF5;
	p2 =	por !p2, p0  }
0x20: {  	[sflag:s8] =	ssyncset.s32 @!p0 $0xFFFFF086;
	s6 =	sadd.s32 @!p0 s3, s7;
	s7 =	simm.s32 @!p0 $0x108  }
0x21: {  	s3 =	sadd.s32 s3, s9;
	s6 =	sadd.s32 @!p0 $0x88, s6;
	s7 =	simm.s32 @p2 $0x1082  }
0x22: {  	[simem:s7], [sflag:s8] =	dma.local @!p0 [hbm:s6], $0xF7A  }
0x23: {  	s9 =	sor.u32 $0xD0000000, s2;
	s6 =	simm.s32 $0x108;
	_ =	swait.ge @!p0 [sflag:s8], $0x0  }
0x24: {  	s3 =	sadd.s32 $0x88, s3;
	s6 =	simm.s32 @!p1 $0x1082;
	[sflag:s4] =	ssyncset.s32 $0xFFFFF086  }
0x25: {  	[simem:s6], [sflag:s4] =	dma.local [hbm:s3], $0xF7A  }
0x26: {  	[smem:$0x3F9D] =	sst s1;
	(tag) =	ssettag s2;
	_ =	strace s9  }
0x27: {  	s1 =	sld [smem:$0x3FAD]  }
0x28: {  	s2 =	sld [smem:$0x3FAE]  }
0x29: {  	s4 =	sld [smem:$0x3FB0]  }
0x2a: {  	p0 =	seq.s32 s5, $0x0;
	s5 =	sld [smem:$0x3FB1]  }
0x2b: {  	s6 =	sld [smem:$0x3FB2]  }
0x2c: {  	s7 =	sld [smem:$0x3FB3]  }
0x2d: {  	s3 =	simm.s32 $0x108;
	s8 =	sld [smem:$0x3FB4]  }
0x2e: {  	s3 =	simm.s32 @!p0 $0x1082;
	s9 =	sld [smem:$0x3FB5]  }
0x2f: {  	lr =	sadd.s32 s0, s3;
	s0 =	sld [smem:$0x3FAC]  }
0x30: {  	s3 =	sld [smem:$0x3FAF]  }
0x31: {  	[smem:$0x3FB8] =	sst s10  }
0x32: {  	s10 =	sld [smem:$0x3FB6];
	_ =	sdelay $0x3  }
0x33: {  	p0 =	seq.s32 s10, $0x1;
	s10 =	sld [smem:$0x3FB8];
	_ =	sdelay $0x3  }
0x34: {  	[smem:$0x3FB8] =	sst s10  }
0x35: {  	s10 =	sld [smem:$0x3FB7];
	_ =	sdelay $0x3  }
0x36: {  	p1 =	seq.s32 s10, $0x1;
	s10 =	sld [smem:$0x3FB8];
	_ =	sdelay $0x3  }
0x37: {  	[smem:$0x3FB8] =	sst s10  }
0x38: {  	s10 =	sld [smem:$0x3FB9]  }
0x39: {  	_ = 	snop;
	(pc) =	sbr.ind lr, $3  }
0x3a: {  	_ = 	snop  }
0x3b: {  	_ = 	snop  }
0x3c: {  	p2 =	seq.s32 s10, $0x1;
	s10 =	sld [smem:$0x3FB8]  }
0x3d: {  	_ =	shalt  }
0x3e: {  	_ =	shalt  }
0x3f: {  	_ =	shalt  }
0x40: {  	_ =	shalt  }
0x41: {  	_ =	shalt  }
0x42: {  	_ =	shalt  }
0x43: {  	_ =	shalt  }
0x44: {  	_ =	shalt  }
0x45: {  	_ =	shalt  }
0x46: {  	_ =	shalt  }
0x47: {  	_ =	shalt  }
0x48: {  	_ =	shalt  }
0x49: {  	_ =	shalt  }
0x4a: {  	_ =	shalt  }
0x4b: {  	_ =	shalt  }
0x4c: {  	_ =	shalt  }
0x4d: {  	_ =	shalt  }
0x4e: {  	_ =	shalt  }
0x4f: {  	_ =	shalt  }
0x50: {  	_ =	shalt  }
0x51: {  	_ =	shalt  }
0x52: {  	_ =	shalt  }
0x53: {  	_ =	shalt  }
0x54: {  	_ =	shalt  }
0x55: {  	_ =	shalt  }
0x56: {  	_ =	shalt  }
0x57: {  	_ =	shalt  }
0x58: {  	_ =	shalt  }
0x59: {  	_ =	shalt  }
0x5a: {  	_ =	shalt  }
0x5b: {  	_ =	shalt  }
0x5c: {  	_ =	shalt  }
0x5d: {  	_ =	shalt  }
0x5e: {  	_ =	shalt  }
0x5f: {  	_ =	shalt  }
0x60: {  	_ =	shalt  }
0x61: {  	_ =	shalt  }
0x62: {  	_ =	shalt  }
0x63: {  	_ =	shalt  }
0x64: {  	_ =	shalt  }
0x65: {  	_ =	shalt  }
0x66: {  	_ =	shalt  }
0x67: {  	_ =	shalt  }
0x68: {  	_ =	shalt  }
0x69: {  	_ =	shalt  }
0x6a: {  	_ =	shalt  }
0x6b: {  	_ =	shalt  }
0x6c: {  	_ =	shalt  }
0x6d: {  	_ =	shalt  }
0x6e: {  	_ =	shalt  }
0x6f: {  	_ =	shalt  }
0x70: {  	_ =	shalt  }
0x71: {  	_ =	shalt  }
0x72: {  	_ =	shalt  }
0x73: {  	_ =	shalt  }
0x74: {  	_ =	shalt  }
0x75: {  	_ =	shalt  }
0x76: {  	_ =	shalt  }
0x77: {  	_ =	shalt  }
0x78: {  	_ =	shalt  }
0x79: {  	_ =	shalt  }
0x7a: {  	_ =	shalt  }
0x7b: {  	_ =	shalt  }
0x7c: {  	_ =	shalt  }
0x7d: {  	_ =	shalt  }
0x7e: {  	_ =	shalt  }
0x7f: {  	_ =	shalt  }
0x80: {  	_ =	shalt  }
0x81: {  	_ =	shalt  }
0x82: {  	_ =	shalt  }
0x83: {  	_ =	shalt  }
0x84: {  	_ =	shalt  }
0x85: {  	_ =	shalt  }
0x86: {  	_ =	shalt  }
0x87: {  	_ =	shalt  }
.Lfunc_end0:
.L_simem_size_0:
called_computation_lowered:
.L_overlay_start_0:
0x88: {  	s2 =	sld [smem:$0x3FD9]  }
0x89: {  	s3 =	sld [smem:$0x3FFE];
	_ =	sdelay $0x1  }
0x8a: {  	s1 =	srdreg.scid  }
0x8b: {  	s0 =	sand.u32 $0x1, s1  }
0x8c: {  	s16 =	sshll.u32 s0, $0xA;
	s2 =	sadd.s32 s3, s2  }
0x8d: {  	s2 =	sadd.s32 s2, s16  }
0x8e: {  	[smem:$0x3FC4] =	sst s2  }
0x8f: {  	_ = 	snop  }
0x90: {  	(tm) =	ssettm $0x1  }
0x91: {  	s17 =	sld [smem:$0x3FFB];
	_ =	sdelay $0x3  }
0x92: {  	_ =	strace s17  }
0x93: {  	s2 =	sld [smem:$0x3FFC];
	_ =	sdelay $0x3  }
0x94: {  	_ =	strace s2  }
0x95: {  	s2 =	sld [smem:$0x3FFD];
	_ =	sdelay $0x3  }
0x96: {  	_ =	strace s2  }
0x97: {  	_ =	strace $0x8FFFFFFF  }
0x98: {  	s18 =	sld [smem:$0x3FDB];
	_ =	sdelay $0x1  }
0x99: {  	s19 =	simm.s32 $_scs_section_size  }
0x9a: {  	s4 =	simm.s32 $_size__tile_overlayer_lowered;
	s5 =	simm.s32 $_tile_overlayer_lowered  }
0x9b: {  	s22 =	simm.s32 $0x1BFF;
	s21 =	sshll.u32 s5, $0x1;
	s2 =	sadd.s32 s19, s18  }
0x9c: {  	s6 =	simm.s32 $0x0;
	s20 =	sshll.u32 s4, $0x1;
	s4 =	sadd.s32 s21, s2  }
0x9d: {  	[timem:s6], [sflag:s22] =	dma.local [hbm:s4], s20  }
0x9e: {  	_ =	swait.ge [sflag:s22], s20  }
0x9f: {  	s3 =	ssub.s32 $0x0, s20;
	[sflag:s22] =	ssyncset.done $0x0  }
0xa0: {  	[sflag:s22] =	ssyncadd.s32 s3;
	_ =	sdelay $0x1  }
0xa1: {  	s23 =	simm.s32 $0x1B8B  }
0xa2: {  	_ =	swait.ge [sflag:s23], $0x1  }
0xa3: {  	[sflag:s23] =	ssyncset.done $0x0  }
0xa4: {  	s25 =	simm.s32 $0x1B8E;
	s24 =	sld [smem:$0x3FFE];
	[sflag:s23] =	ssyncadd.s32 $0xFFFFFFFF  }
0xa5: {  	s26 =	simm.s32 $execute0_lowered;
	[smem:$0x3FD2] =	sst s25  }
0xa6: {  	s4 =	sshll.u32 s26, $0x1;
	_ =	strace $0x80000046;
	[dreg:$0x1] =	wrdreg $0xFFFFFFFF  }
0xa7: {  	s28 =	simm.s32 $_size_execute0_lowered;
	s2 =	sadd.s32 s2, s4;
	[dreg:$0x0] =	wrdreg $0x0  }
0xa8: {  	s4 =	sshll.u32 s28, $0x1;
	[dreg:$0x2] =	wrdreg s2  }
0xa9: {  	[dreg:$0x3] =	wrdreg s4  }
0xaa: {  	[dreg:$0x4] =	wrdreg $0xC0  }
0xab: {  	_ =	task [dreg:s6], $0x5FFFF  }
0xac: {  	[dreg:$0x1] =	wrdreg $0xFFFFFFFF  }
0xad: {  	[dreg:$0x0] =	wrdreg $0x60  }
0xae: {  	[dreg:$0x2] =	wrdreg s24  }
0xaf: {  	[dreg:$0x3] =	wrdreg $0x9  }
0xb0: {  	_ =	task.clear_ibuf [dreg:s6], $0x4FFFF;
	_ =	strace $0x90000046  }
0xb1: {  	s29 =	simm.s32 $0x9;
	_ =	strace $0x80000048  }
0xb2: {  	_ =	swait.ge [sflag:s29], $0x1  }
0xb3: {  	[sflag:s29] =	ssyncadd.s32 $0xFFFFFFFF  }
0xb4: {  	_ =	strace $0x90000048  }
0xb5: {  	_ =	sfence  }
0xb6: {  	s30 =	sld [smem:$0x0];
	_ =	sdelay $0x2  }
0xb7: {  	s31 =	sshll.u32 s1, $0xD;
	s1 =	sshrl.u32 s1, $0x2  }
0xb8: {  	s3 =	sand.u32 $0x4000, s31;
	s1 =	sadd.s32 s1, s30  }
0xb9: {  	s0 =	sor.u32 s3, s0;
	s1 =	sshll.u32 s1, $0x11  }
0xba: {  	s0 =	sor.u32 s1, s0  }
0xbb: {  	s0 =	sadd.s32 $0x8F2B, s0  }
0xbc: {  	[sflag:s0] =	ssyncadd.remote.s32 $0x1  }
0xbd: {  	_ =	sfence.sel $0xFFFF  }
0xbe: {  	[dreg:$0x0] =	wrdreg $0xFFFFFFFF;
	(pc) =	sbr.abs _section_cstart, $3  }
0xbf: {  	[dreg:$0x1] =	wrdreg $0xFFFFFFFF  }
0xc0: {  	_ =	task.clear_ibuf [dreg:s6], $0x2FFFF;
	_ =	strace $0x9FFFFFFF  }
0xc1: {  	(tm) =	ssettm $0x7FFFFFFF  }
tec
execute0_lowered:
.L_overlay_start_1:
0x0: {  	(tag) =	ssettag $0x1  }
0x1: {  	v0 =	vimm.s32 $0x100  }
0x2: {  	vm0 =	vcmask $0x1700;
	vm13 =	vcmask $0x2F18;
	vm14 =	vcmask $0x1B00  }
0x3: {  	vm1 =	vcmask $0x3318;
	v36 =	vimm.s32 $0x5C483420;
	vm2 =	vcmask $0x331C  }
0x4: {  	v37 =	vimm.s32 $0x2C180470;
	v38 =	vimm.s32 $0xC786450;
	v5 =	vimm.s32 $0x3C281400  }
0x5: {  	vm15 =	vcmask $0x1F10;
	v39 =	vimm.s32 $0x5D493521;
	v40 =	vimm.s32 $0x2D190571  }
0x6: {  	v43 =	vimm.s32 $0xD796551;
	v44 =	vimm.s32 $0x3D291501;
	v46 =	vimm.s32 $0x5E4A3622  }
0x7: {  	v48 =	vimm.s32 $0x2E1A0672;
	v49 =	vimm.s32 $0xE7A6652;
	v50 =	vimm.s32 $0x3E2A1602  }
0x8: {  	v8 =	vimm.s32 $0x5F4B3723;
	v9 =	vimm.s32 $0x2F1B0773;
	v55 =	vimm.s32 $0xF7B6753  }
0x9: {  	v57 =	vimm.s32 $0x3F2B1703;
	v58 =	vimm.s32 $0x604C3824;
	v59 =	vimm.s32 $0x301C0874  }
0xa: {  	v60 =	vimm.s32 $0x402C1804;
	v61 =	vimm.s32 $0x107C6854;
	v62 =	vimm.s32 $0x614D3925  }
0xb: {  	v10 =	vimm.s32 $0x311D0975;
	v34 =	vimm.s32 $0x412D1905;
	v35 =	vimm.s32 $0x117D6955  }
0xc: {  	v11 =	vimm.s32 $0x634F3B27;
	v12 =	vimm.s32 $0x331F0B77;
	v54 =	vimm.s32 $0x35210D79  }
0xd: {  	v13 =	vimm.s32 $0x1B07735F;
	v2 =	vsel vm0, $0x0, v0;
	v0 =	vsel vm14, $0x0, v0  }
0xe: {  	v3 =	vunpack.c.0.s8.s32 v36;
	v4 =	vunpack.c.0.s8.s32 v37;
	v6 =	vunpack.c.0.s8.s32 v38  }
0xf: {  	v45 =	vunpack.c.0.s8.s32 v43;
	v47 =	vunpack.c.0.s8.s32 v46;
	v7 =	vunpack.c.0.s8.s32 v48  }
0x10: {  	v8 =	vunpack.c.0.s8.s32 v8;
	v9 =	vunpack.c.0.s8.s32 v9;
	v56 =	vunpack.c.0.s8.s32 v55  }
0x11: {  	v63 =	vunpack.c.0.s8.s32 v10;
	v36 =	vimm.s32 $0x624E3A26;
	v37 =	vimm.s32 $0x321E0A76  }
0x12: {  	v38 =	vimm.s32 $0x422E1A06;
	v46 =	vimm.s32 $0x137F6B57;
	v48 =	vimm.s32 $0x34200C78  }
0x13: {  	v55 =	vunpack.c.0.s8.s32 v54;
	v13 =	vunpack.c.0.s8.s32 v13;
	v1 =	vsel vm13, $0x80, v2  }
0x14: {  	v2 =	vsel vm1, $0x80, v2;
	v0 =	vsel vm2, $0x80, v0;
	[tilespmem:$0x1FD70] =	vst v1;
	v1 =	vunpack.c.0.s8.s32 v5  }
0x15: {  	v3 =	vsel vm15, v4, v3;
	v4 =	vunpack.c.0.s8.s32 v39;
	v5 =	vunpack.c.0.s8.s32 v40  }
0x16: {  	[tilespmem:$0x1FD90] =	vst v0;
	v0 =	vunpack.c.0.s8.s32 v50;
	v51 =	vsel vm15, v7, v47;
	v53 =	vsel vm15, v9, v8  }
0x17: {  	v7 =	vunpack.c.0.s8.s32 v59;
	v8 =	vunpack.c.0.s8.s32 v60;
	v9 =	vunpack.c.0.s8.s32 v61  }
0x18: {  	v39 =	vimm.s32 $0x127E6A56;
	v40 =	vunpack.c.0.s8.s32 v11;
	v47 =	vimm.s32 $0x64503C28  }
0x19: {  	v50 =	vimm.s32 $0x14006C58;
	v60 =	vimm.s32 $0x45311D09;
	v61 =	vimm.s32 $0x15016D59  }
0x1a: {  	v10 =	vunpack.c.0.s8.s32 v39;
	v6 =	vsel vm15, v6, v1;
	v8 =	vsel vm15, v9, v8  }
0x1b: {  	v9 =	vunpack.c.0.s8.s32 v38;
	v41 =	vcombine.low v6, v3;
	v6 =	vunpack.c.0.s8.s32 v49  }
0x1c: {  	v42 =	vsel vm15, v5, v4;
	v3 =	vunpack.c.0.s8.s32 v44;
	v49 =	vimm.s32 $0x44301C08  }
0x1d: {  	v43 =	vsel vm15, v10, v9;
	v52 =	vsel vm15, v6, v0;
	v6 =	vunpack.c.0.s8.s32 v58  }
0x1e: {  	[tilespmem:$0x1FDA0] =	vst v41;
	v4 =	vsel vm15, v45, v3;
	v41 =	vunpack.c.0.s8.s32 v12;
	v45 =	vimm.s32 $0x432F1B07  }
0x1f: {  	[tilespmem:$0x1FD80] =	vst v2;
	v12 =	vimm.s32 $0x37230F7B;
	v2 =	vcombine.low v4, v42;
	v6 =	vsel vm15, v7, v6  }
0x20: {  	v7 =	vunpack.c.0.s8.s32 v62;
	v44 =	vsel vm15, v41, v40;
	v62 =	vimm.s32 $0x66523E2A  }
0x21: {  	v40 =	vimm.s32 $0x47331F0B;
	v41 =	vimm.s32 $0x17036F5B;
	[tilespmem:$0x1FDB0] =	vst v2;
	v2 =	vcombine.low v52, v51  }
0x22: {  	v32 =	vcombine.low v8, v6;
	v6 =	vunpack.c.0.s8.s32 v35;
	v8 =	vunpack.c.0.s8.s32 v37  }
0x23: {  	v51 =	vunpack.c.0.s8.s32 v49;
	v52 =	vunpack.c.0.s8.s32 v50;
	v49 =	vimm.s32 $0x6955412D  }
0x24: {  	v50 =	vimm.s32 $0x3925117D;
	v33 =	vsel vm15, v63, v7;
	v7 =	vunpack.c.0.s8.s32 v36  }
0x25: {  	v63 =	vimm.s32 $0x36220E7A;
	v36 =	vunpack.c.0.s8.s32 v12;
	v12 =	vimm.s32 $0x4B37230F;
	[tilespmem:$0x1FDC0] =	vst v2  }
0x26: {  	v2 =	vunpack.c.0.s8.s32 v57;
	[tilespmem:$0x1FDE0] =	vst v32;
	v32 =	vimm.s32 $0x46321E0A;
	v12 =	vunpack.c.0.s8.s32 v12  }
0x27: {  	v42 =	vsel vm15, v8, v7;
	v7 =	vunpack.c.0.s8.s32 v47;
	v8 =	vunpack.c.0.s8.s32 v48  }
0x28: {  	v9 =	vunpack.c.0.s8.s32 v32;
	v5 =	vsel vm15, v56, v2;
	v56 =	vlaneseq.u32  }
0x29: {  	v4 =	vcombine.low v5, v53;
	v5 =	vunpack.c.0.s8.s32 v34;
	v7 =	vsel vm15, v8, v7  }
0x2a: {  	v53 =	vimm.s32 $0x65513D29;
	v57 =	vor.u32 $0x140, v56;
	v34 =	vimm.s32 $0x67533F2B  }
0x2b: {  	v8 =	vunpack.c.0.s8.s32 v53;
	[tilespmem:$0x1FE10] =	vst v57;
	v35 =	vunpack.c.0.s8.s32 v34;
	v5 =	vsel vm15, v6, v5  }
0x2c: {  	v57 =	vimm.s32 $0x3A26127E;
	[tilespmem:$0x1FDD0] =	vst v4;
	v6 =	vunpack.c.0.s8.s32 v46;
	v4 =	vcombine.low v5, v33  }
0x2d: {  	v5 =	vunpack.c.0.s8.s32 v45;
	v59 =	vsel vm15, v55, v8;
	v8 =	vunpack.c.0.s8.s32 v63  }
0x2e: {  	v33 =	vimm.s32 $0x16026E5A;
	v39 =	vsel vm15, v36, v35;
	v45 =	vimm.s32 $0x1804705C  }
0x2f: {  	v55 =	vimm.s32 $0x6A56422E;
	v63 =	vimm.s32 $0x3B27137F;
	v35 =	vsel vm15, v13, v12  }
0x30: {  	v36 =	vimm.s32 $0x6C584430;
	v10 =	vunpack.c.0.s8.s32 v33;
	v47 =	vunpack.c.0.s8.s32 v45  }
0x31: {  	v11 =	vunpack.c.0.s8.s32 v63;
	v45 =	vimm.s32 $0x6E5A4632;
	[tilespmem:$0x1FDF0] =	vst v4;
	v4 =	vcombine.low v43, v42  }
0x32: {  	v5 =	vsel vm15, v6, v5;
	v6 =	vsel vm15, v52, v51;
	v42 =	vimm.s32 $0x6854402C  }
0x33: {  	v43 =	vimm.s32 $0x3824107C;
	v51 =	vimm.s32 $0x4935210D;
	v52 =	vimm.s32 $0x1905715D  }
0x34: {  	v58 =	vcombine.low v6, v7;
	v6 =	vunpack.c.0.s8.s32 v61;
	v7 =	vunpack.c.0.s8.s32 v62  }
0x35: {  	v38 =	vsel vm15, v10, v9;
	[tilespmem:$0x1FE00] =	vst v4;
	v4 =	vcombine.low v5, v44;
	v5 =	vunpack.c.0.s8.s32 v60  }
0x36: {  	v53 =	vunpack.c.0.s8.s32 v51;
	v54 =	vunpack.c.0.s8.s32 v52;
	v61 =	vimm.s32 $0x1A06725E  }
0x37: {  	v62 =	vimm.s32 $0x6B57432F;
	v44 =	vimm.s32 $0x4834200C;
	v5 =	vsel vm15, v6, v5  }
0x38: {  	v60 =	vimm.s32 $0x4A36220E;
	v9 =	vunpack.c.0.s8.s32 v61;
	[tilespmem:$0x1FE20] =	vst v4;
	v4 =	vcombine.low v5, v59  }
0x39: {  	v37 =	vsel vm15, v8, v7;
	v6 =	vunpack.c.0.s8.s32 v41;
	v5 =	vunpack.c.0.s8.s32 v40  }
0x3a: {  	v10 =	vunpack.c.0.s8.s32 v62;
	v7 =	vunpack.c.0.s8.s32 v42;
	[tilespmem:$0x1FE40] =	vst v4;
	v4 =	vcombine.low v38, v37  }
0x3b: {  	[tilespmem:$0x1FE30] =	vst v58;
	v8 =	vunpack.c.0.s8.s32 v43;
	v46 =	vunpack.c.0.s8.s32 v44;
	v5 =	vsel vm15, v6, v5  }
0x3c: {  	v58 =	vunpack.c.0.s8.s32 v55;
	v34 =	vsel vm15, v11, v10;
	[tilespmem:$0x1FE50] =	vst v4;
	v4 =	vcombine.low v5, v39  }
0x3d: {  	v41 =	vimm.s32 $0x1D097561;
	v48 =	vsel vm15, v8, v7;
	v6 =	vsel vm15, v47, v46  }
0x3e: {  	v7 =	vunpack.c.0.s8.s32 v50;
	v5 =	vunpack.c.0.s8.s32 v49;
	[tilespmem:$0x1FE60] =	vst v4;
	v4 =	vcombine.low v6, v48  }
0x3f: {  	v59 =	vunpack.c.0.s8.s32 v57;
	v8 =	vunpack.c.0.s8.s32 v60;
	v40 =	vimm.s32 $0x4D392511  }
0x40: {  	v11 =	vunpack.c.0.s8.s32 v41;
	v5 =	vsel vm15, v7, v5;
	[tilespmem:$0x1FE70] =	vst v4;
	v4 =	vsel vm15, v54, v53  }
0x41: {  	v10 =	vunpack.c.0.s8.s32 v40;
	v32 =	vsel vm15, v59, v58;
	v4 =	vcombine.low v4, v5  }
0x42: {  	v33 =	vsel vm15, v9, v8;
	v37 =	vimm.s32 $0x4C382410;
	v38 =	vimm.s32 $0x1C087460  }
0x43: {  	v46 =	vimm.s32 $0x4E3A2612;
	v8 =	vunpack.c.0.s8.s32 v38;
	[tilespmem:$0x1FE80] =	vst v4;
	v4 =	vcombine.low v33, v32  }
0x44: {  	v39 =	vimm.s32 $0x6D594531;
	v6 =	vunpack.c.0.s8.s32 v36;
	v7 =	vunpack.c.0.s8.s32 v37  }
0x45: {  	v47 =	vimm.s32 $0x1E0A7662;
	v9 =	vunpack.c.0.s8.s32 v39;
	[tilespmem:$0x1FE90] =	vst v4;
	v4 =	vcombine.low v35, v34  }
0x46: {  	v1 =	vsel vm15, v1, v6;
	v42 =	vsel vm15, v8, v7;
	v6 =	vunpack.c.0.s8.s32 v47  }
0x47: {  	v1 =	vcombine.low v42, v1;
	v5 =	vunpack.c.0.s8.s32 v46;
	[tilespmem:$0x1FEA0] =	vst v4;
	v4 =	vunpack.c.0.s8.s32 v45  }
0x48: {  	v44 =	vsel vm15, v11, v10;
	v43 =	vsel vm15, v3, v9  }
0x49: {  	[tilespmem:$0x1FEB0] =	vst v1;
	v1 =	vcombine.low v44, v43;
	v51 =	vsel vm15, v6, v5;
	v0 =	vsel vm15, v0, v4  }
0x4a: {  	v54 =	vand.u32 $0x1, v56;
	v0 =	vcombine.low v51, v0  }
0x4b: {  	s4 =	rddreg [dreg:$0x0];
	s2 =	simm.s32 $0x0;
	v62 =	vmul.u32 $0xA00, v56;
	v57 =	vmul.u32 $0x40, v54;
	[tilespmem:$0x1FEC0] =	vst v1  }
0x4c: {  	s1 =	srdreg.scid;
	[smem:$0x7FF] =	sst s2;
	[tilespmem:$0x1FED0] =	vst v0  }
0x4d: {  	s5 =	sand.u32 $0x1, s1;
	s1 =	rddreg [dreg:$0x1];
	v13 =	vadd.s32 $0x900, v62;
	_ =	strace $0x80000047;
	[tilespmem:$0x1FEF0] =	vst v57  }
0x4e: {  	v15 =	vor.u32 $0x80, v62;
	[tilespmem:$0x1FF00] =	vst v13  }
0x4f: {  	v19 =	vor.u32 $0x100, v62;
	[tilespmem:$0x1FF10] =	vst v15  }
0x50: {  	v21 =	vor.u32 $0x180, v62;
	[tilespmem:$0x1FF20] =	vst v19  }
0x51: {  	v22 =	vadd.s32 $0x200, v62;
	[tilespmem:$0x1FF30] =	vst v21  }
0x52: {  	v24 =	vadd.s32 $0x280, v62;
	[tilespmem:$0x1FF40] =	vst v22  }
0x53: {  	v26 =	vadd.s32 $0x300, v62;
	[tilespmem:$0x1FF50] =	vst v24  }
0x54: {  	v29 =	vadd.s32 $0x380, v62;
	[tilespmem:$0x1FF60] =	vst v26  }
0x55: {  	s0 =	stileid.u32;
	s10 =	simm.s32 $0x6400;
	v30 =	vadd.s32 $0x400, v62;
	[tilespmem:$0x1FF70] =	vst v29  }
0x56: {  	s11 =	simm.s32 $0xA400;
	s12 =	simm.s32 $0x50;
	s13 =	simm.s32 $0xE400;
	v31 =	vadd.s32 $0x480, v62;
	[tilespmem:$0x1FF80] =	vst v30  }
0x57: {  	s3 =	sshll.u32 s0, $0x1;
	v50 =	vimm.s32 $0x1F0B7763;
	v49 =	vimm.s32 $0x4F3B2713;
	v32 =	vadd.s32 $0x500, v62;
	[tilespmem:$0x1FF90] =	vst v31  }
0x58: {  	s14 =	simm.s32 $0x6000;
	s15 =	simm.s32 $0x1;
	s3 =	sor.u32 s5, s3;
	v48 =	vimm.s32 $0x6F5B4733;
	v9 =	vunpack.c.0.s8.s32 v50;
	v33 =	vadd.s32 $0x580, v62;
	[tilespmem:$0x1FFA0] =	vst v32  }
0x59: {  	s16 =	simm.s32 $0x10C00;
	s17 =	simm.s32 $0x0;
	s6 =	smul.u32 $0xC00, s3;
	v7 =	vunpack.c.0.s8.s32 v48;
	v8 =	vunpack.c.0.s8.s32 v49;
	v34 =	vadd.s32 $0x600, v62;
	[tilespmem:$0x1FFB0] =	vst v33  }
0x5a: {  	s5 =	ssub.s32 $0x2, s5;
	s7 =	sshll.u32 s3, $0xC;
	s8 =	smul.u32 $0x540, s3;
	v35 =	vadd.s32 $0x680, v62;
	[tilespmem:$0x1FFC0] =	vst v34  }
0x5b: {  	s3 =	sadd.s32 $0x7A2A00, s4;
	s31 =	sshrl.u32 s5, $0x1;
	s7 =	sadd.s32 s7, s4;
	v36 =	vadd.s32 $0x700, v62;
	v52 =	vsel vm15, v2, v7;
	v53 =	vsel vm15, v9, v8;
	[tilespmem:$0x1FFD0] =	vst v35  }
0x5c: {  	s9 =	ssub.s32 s5, s31;
	s6 =	sadd.s32 s6, s4;
	s8 =	sadd.s32 s8, s4;
	v55 =	vmul.u32 $0x80, v56;
	v38 =	vadd.s32 $0x780, v62;
	v0 =	vcombine.low v53, v52;
	[tilespmem:$0x1FFE0] =	vst v36  }
0x5d: {  	s5 =	sadd.s32 $0x1200, s7;
	s7 =	smax.u32 s9, $0x1;
	s9 =	simm.s32 $0x80;
	v63 =	vshrl.u32 v56, $0x1;
	v61 =	vadd.s32 $0x880, v62;
	v60 =	vadd.s32 $0x980, v62;
	[tilespmem:$0x1FFF0] =	vst v38  }
0x5e: {  	s4 =	sadd.s32 $0x21200, s6;
	s6 =	sadd.s32 $0x39200, s8;
	s8 =	simm.s32 $0x2;
	v58 =	vmul.u32 $0x80, v63;
	v63 =	vor.u32 $0xA000, v55;
	v59 =	vadd.s32 $0x800, v62;
	[tilespmem:$0x1FEE0] =	vst v0  }
.LBB2_1:
0x5f: {  	[tilespmem:s2], [sflag:$0x2] =	stream.linear.gather [hbm4b:s4+s2], $0x6000, $0x38;
	[tilespmem:$0x13600] =	vst v63  }
0x60: {  	_ =	swait.ge [sflag:s8], $0x6000  }
0x61: {  	[sflag:s8] =	ssyncset.done $0x0  }
0x62: {  	s18 =	simm.s32 $0x0;
	[sflag:s8] =	ssyncadd.s32 $0xFFFFA000  }
.LBB2_2:
0x63: {  	s19 =	smul.u32 $0xC00, s18;
	_ =	sdelay $0x1  }
0x64: {  	s19 =	sshra.s32 s19, $0x2  }
0x65: {  	[tilespmem:s10], [sflag:$0x1] =	stream.indirect.gather [hbm4b:s3+s9], $0x80, s19, s9, $0xb8;
	[tilespmem:$0x13600] =	vst v63  }
0x66: {  	s20 =	sor.u32 $0x80, s19  }
0x67: {  	[tilespmem:s11], [sflag:$0x1] =	stream.indirect.gather [hbm4b:s3+s9], $0x80, s20, s9, $0xb8;
	[tilespmem:$0x13600] =	vst v63  }
0x68: {  	s26 =	sshll.u32 s18, $0x7;
	s19 =	sadd.s32 $0x100, s19  }
0x69: {  	[tilespmem:s13], [sflag:$0x1] =	stream.indirect.gather [hbm4b:s3+s12], $0x80, s19, s12, $0xb8;
	[tilespmem:$0x13600] =	vst v63  }
0x6a: {  	s29 =	simm.s32 $0x0;
	s28 =	sadd.s32 s26, s5  }
0x6b: {  	[tilespmem:s14], [sflag:$0x1] =	stream.linear.gather [hbm4b:s28+s29], $0x400, $0x38;
	[tilespmem:$0x13600] =	vst v63  }
0x6c: {  	_ =	swait.ge [sflag:s15], $0x4000  }
0x6d: {  	[sflag:s15] =	ssyncset.done $0x0  }
0x6e: {  	[sflag:s15] =	ssyncadd.s32 $0xFFFFC000  }
0x6f: {  	_ =	swait.ge [sflag:s15], $0x4000  }
0x70: {  	[sflag:s15] =	ssyncset.done $0x0  }
0x71: {  	[sflag:s15] =	ssyncadd.s32 $0xFFFFC000  }
0x72: {  	_ =	swait.ge [sflag:s15], $0x2800  }
0x73: {  	s30 =	smul.u32 $0x6, s18;
	v1 =	vld [tilespmem:$0x1FE10]  }
0x74: {  	[sflag:s15] =	ssyncset.done $0x0;
	v2 =	vld [tilespmem:$0x1FD90]  }
0x75: {  	s20 =	sadd.s32 $0x3, s30;
	v3 =	vld [tilespmem:$0x1FDA0];
	[sflag:s15] =	ssyncadd.s32 $0xFFFFD800  }
0x76: {  	v0 =	vmov s20;
	_ =	swait.ge [sflag:s15], $0x400  }
0x77: {  	v0 =	vshll.u32 v0, $0x7;
	v4 =	vld [tilespmem:$0x1FDB0]  }
0x78: {  	v1 =	vadd.s32 v1, v0  }
0x79: {  	v5 =	vld [tilespmem:$0x1FDC0];
	v2 =	vadd.s32 v2, v0  }
0x7a: {  	v3 =	vor.u32 v3, v2  }
0x7b: {  	[sflag:s15] =	ssyncset.done $0x0  }
0x7c: {  	v6 =	vld [tilespmem:$0x1FDD0];
	[sflag:s15] =	ssyncadd.s32 $0xFFFFFC00;
	v4 =	vor.u32 v4, v2  }
0x7d: {  	v10 =	vld.idx.msk [tilespmem:v1+s29+$0x0], $0xffff  }
0x7e: {  	v5 =	vor.u32 v5, v2;
	v1 =	vld [tilespmem:$0x1FDE0]  }
0x7f: {  	v11 =	vld.idx.msk [tilespmem:v3+s29+$0x0], $0xffff  }
0x80: {  	v3 =	vld [tilespmem:$0x1FDF0]  }
0x81: {  	v23 =	vld.idx.msk [tilespmem:v4+s29+$0x0], $0xffff  }
0x82: {  	v4 =	vld [tilespmem:$0x1FE00]  }
0x83: {  	v6 =	vor.u32 v6, v2;
	v12 =	vld.idx.msk [tilespmem:v5+s29+$0x0], $0xffff  }
0x84: {  	v5 =	vld [tilespmem:$0x1FE20];
	_ =	sdelay $0x3  }
0x85: {  	v14 =	vld.idx.msk [tilespmem:v6+s29+$0x0], $0xffff;
	v1 =	vor.u32 v1, v2  }
0x86: {  	v3 =	vor.u32 v3, v2;
	v4 =	vor.u32 v4, v2;
	v2 =	vor.u32 v5, v2;
	v5 =	vld [tilespmem:$0x1FD80]  }
0x87: {  	v6 =	vld [tilespmem:$0x1FE30];
	_ =	sdelay $0x1  }
0x88: {  	v7 =	vld [tilespmem:$0x1FD70]  }
0x89: {  	v8 =	vld [tilespmem:$0x1FED0]  }
0x8a: {  	v17 =	vld.idx.msk [tilespmem:v1+s29+$0x0], $0xffff;
	v5 =	vadd.s32 v5, v0  }
0x8b: {  	v1 =	vld [tilespmem:$0x1FEE0];
	v6 =	vor.u32 v6, v5  }
0x8c: {  	v25 =	vld.idx.msk [tilespmem:v3+s29+$0x0], $0xffff  }
0x8d: {  	v3 =	vld [tilespmem:$0x1FE40]  }
0x8e: {  	v27 =	vld.idx.msk [tilespmem:v2+s29+$0x0], $0xffff  }
0x8f: {  	v0 =	vadd.s32 v7, v0;
	v2 =	vld [tilespmem:$0x1FE60]  }
0x90: {  	v1 =	vor.u32 v1, v0;
	v20 =	vld.idx.msk [tilespmem:v6+s29+$0x0], $0xffff  }
0x91: {  	v6 =	vld [tilespmem:$0x1FE70]  }
0x92: {  	v18 =	vld.idx.msk [tilespmem:v4+s29+$0x0], $0xffff;
	v3 =	vor.u32 v3, v5  }
0x93: {  	v4 =	vld [tilespmem:$0x1FE50]  }
0x94: {  	v7 =	vld [tilespmem:$0x1FE80];
	v2 =	vor.u32 v2, v5  }
0x95: {  	v9 =	vld.idx.msk [tilespmem:v1+s29+$0x0], $0xffff  }
0x96: {  	v1 =	vld [tilespmem:$0x1FE90];
	v6 =	vor.u32 v6, v5  }
0x97: {  	v37 =	vld.idx.msk [tilespmem:v3+s29+$0x0], $0xffff  }
0x98: {  	v3 =	vld [tilespmem:$0x1FEA0]  }
0x99: {  	[tilespmem:$0x1FC30] =	vst v10;
	v4 =	vor.u32 v4, v5;
	v39 =	vld.idx.msk [tilespmem:v2+s29+$0x0], $0xffff  }
0x9a: {  	[tilespmem:$0x1FC40] =	vst v11;
	v2 =	vld [tilespmem:$0x1FEB0]  }
0x9b: {  	[tilespmem:$0x1FC50] =	vst v23;
	v40 =	vld.idx.msk [tilespmem:v6+s29+$0x0], $0xffff  }
0x9c: {  	[tilespmem:$0x1FC60] =	vst v12;
	v7 =	vor.u32 v7, v5;
	v6 =	vld [tilespmem:$0x1FEC0]  }
0x9d: {  	[tilespmem:$0x1FC70] =	vst v14;
	v1 =	vor.u32 v1, v5  }
0x9e: {  	[tilespmem:$0x1FC80] =	vst v17;
	v28 =	vld.idx.msk [tilespmem:v4+s29+$0x0], $0xffff;
	v4 =	vadd.s32 s29, v56;
	v3 =	vor.u32 v3, v5  }
0x9f: {  	v8 =	vor.u32 v8, v0;
	[tilespmem:$0x1FC90] =	vst v25;
	v5 =	vand.u32 $0x3F, v4  }
0xa0: {  	[tilespmem:$0x1FCA0] =	vst v18;
	v18 =	vadd.s32 v18, v5;
	v2 =	vor.u32 v2, v0  }
0xa1: {  	v41 =	vld.idx.msk [tilespmem:v7+s29+$0x0], $0xffff;
	v18 =	vadd.s32 v26, v18;
	v6 =	vor.u32 v6, v0;
	v0 =	vor.u32 v57, v5  }
0xa2: {  	[tilespmem:$0x1FC20] =	vst v9;
	v4 =	vand.u32 $0x7, v4;
	v9 =	vadd.s32 v9, v5;
	v7 =	vand.u32 $0x78, v0;
	v0 =	vld.idx.msk [tilespmem:v1+s29+$0x0], $0xffff  }
0xa3: {  	v1 =	vld.idx.msk [tilespmem:v3+s29+$0x0], $0xffff;
	v3 =	vadd.s32 v10, v5;
	v4 =	vor.u32 v7, v4;
	v7 =	vadd.s32 v60, v9  }
0xa4: {  	[tilespmem:$0x1FCB0] =	vst v27;
	v8 =	vld.idx.msk [tilespmem:v8+s29+$0x0], $0xffff;
	v10 =	vadd.s32 v11, v5;
	v11 =	vadd.s32 v63, v3  }
0xa5: {  	[tilespmem:$0x1FCC0] =	vst v20;
	v2 =	vld.idx.msk [tilespmem:v2+s29+$0x0], $0xffff;
	v10 =	vadd.s32 v62, v10  }
0xa6: {  	v20 =	vadd.s32 v20, v5;
	v18 =	vld.idx.msk [tilespmem:v18+s10+$0x0], $0xffff;
	v3 =	vadd.s32 v23, v5;
	v9 =	vor.u32 v58, v4  }
0xa7: {  	[tilespmem:$0x1FCE0] =	vst v28;
	v15 =	vadd.s32 v15, v3;
	v4 =	vld.idx.msk [tilespmem:v6+s29+$0x0], $0xffff;
	v6 =	vadd.s32 v12, v5  }
0xa8: {  	v12 =	vadd.s32 v14, v5;
	v14 =	vadd.s32 v17, v5;
	v6 =	vadd.s32 v19, v6;
	v7 =	vld.idx.msk [tilespmem:v7+s10+$0x0], $0xffff  }
0xa9: {  	v16 =	vimm.f32 $0.0e+00;
	[tilespmem:$0x1FCF0] =	vst v39;
	v17 =	vadd.s32 v25, v5;
	v14 =	vadd.s32 v22, v14;
	v11 =	vld.idx.msk [tilespmem:v11+s10+$0x0], $0xffff  }
0xaa: {  	v23 =	vadd.s32 v40, v5;
	v22 =	vadd.s32 v39, v5;
	v17 =	vadd.s32 v24, v17;
	v10 =	vld.idx.msk [tilespmem:v10+s10+$0x0], $0xffff  }
0xab: {  	v20 =	vadd.s32 v30, v20;
	v23 =	vadd.s32 v34, v23;
	v22 =	vadd.s32 v33, v22;
	v3 =	vld.idx.msk [tilespmem:v9+s14+$0x0], $0xffff  }
0xac: {  	v19 =	vadd.s32 v27, v5;
	v9 =	vadd.s32 v21, v12;
	v12 =	vadd.s32 v37, v5;
	v26 =	vld.idx.msk [tilespmem:v15+s10+$0x0], $0xffff  }
0xad: {  	v19 =	vadd.s32 v29, v19;
	v21 =	vadd.s32 v28, v5;
	v29 =	vadd.s32 v31, v12;
	v6 =	vld.idx.msk [tilespmem:v6+s10+$0x0], $0xffff  }
0xae: {  	s31 =	simm.s32 $0x1;
	v24 =	vadd.s32 v41, v5;
	v25 =	vadd.s32 v0, v5;
	v21 =	vadd.s32 v32, v21;
	v30 =	vld.idx.msk [tilespmem:v14+s10+$0x0], $0xffff  }
0xaf: {  	[tilespmem:$0x1FD20] =	vst v0;
	v27 =	vadd.s32 v2, v5;
	v39 =	vadd.s32 s31, v56;
	v28 =	vadd.s32 v4, v5;
	v17 =	vld.idx.msk [tilespmem:v17+s10+$0x0], $0xffff  }
0xb0: {  	v0 =	vadd.s32 v36, v25;
	v34 =	vadd.s32 v59, v27;
	v33 =	vadd.s32 v61, v28;
	v28 =	vld.idx.msk [tilespmem:v22+s10+$0x0], $0xffff  }
0xb1: {  	v25 =	vimm.f32 $0.0e+00;
	v15 =	vadd.s32 v1, v5;
	v31 =	vadd.s32 v35, v24;
	v9 =	vld.idx.msk [tilespmem:v9+s10+$0x0], $0xffff  }
0xb2: {  	[tilespmem:$0x1FCD0] =	vst v37;
	v35 =	vadd.s32 v38, v15;
	v24 =	vimm.f32 $0.0e+00;
	v5 =	vadd.s32 v8, v5;
	v37 =	vld.idx.msk [tilespmem:v29+s10+$0x0], $0xffff  }
0xb3: {  	v36 =	vadd.s32 v13, v5;
	v7 =	vmul.f32 v7, v3;
	v11 =	vmul.f32 v11, v3;
	v27 =	vld.idx.msk [tilespmem:v21+s10+$0x0], $0xffff  }
0xb4: {  	v22 =	vimm.f32 $0.0e+00;
	v10 =	vmul.f32 v10, v3;
	v29 =	vld.idx.msk [tilespmem:v23+s10+$0x0], $0xffff;
	v23 =	vimm.f32 $0.0e+00  }
0xb5: {  	[tilespmem:$0x1FD60] =	vst v8;
	v21 =	vimm.f32 $0.0e+00;
	v48 =	vadd.f32 v7, v16;
	v7 =	vld.idx.msk [tilespmem:v19+s10+$0x0], $0xffff;
	v15 =	vadd.f32 v11, v16  }
0xb6: {  	v11 =	vmul.f32 v26, v3;
	v19 =	vld.idx.msk [tilespmem:v20+s10+$0x0], $0xffff;
	v14 =	vadd.f32 v10, v16;
	v6 =	vmul.f32 v6, v3  }
0xb7: {  	[tilespmem:$0x1FD10] =	vst v41;
	v26 =	vimm.f32 $0.0e+00;
	v20 =	vmul.f32 v30, v3;
	v17 =	vmul.f32 v17, v3  }
0xb8: {  	[tilespmem:$0x1FD00] =	vst v40;
	v12 =	vadd.f32 v11, v16;
	v9 =	vmul.f32 v9, v3;
	v11 =	vadd.f32 v6, v16  }
0xb9: {  	[tilespmem:$0x1FD40] =	vst v2;
	v6 =	vmul.f32 v18, v3;
	v5 =	vadd.f32 v17, v16;
	v18 =	vimm.f32 $0.0e+00  }
0xba: {  	[tilespmem:$0x1FD30] =	vst v1;
	v17 =	vimm.f32 $0.0e+00;
	v10 =	vadd.f32 v9, v16;
	v9 =	vadd.f32 v20, v16  }
0xbb: {  	v31 =	vld.idx.msk [tilespmem:v31+s10+$0x0], $0xffff;
	v38 =	vmul.f32 v7, v3;
	v7 =	vadd.f32 v6, v16;
	v32 =	vmul.f32 v19, v3  }
0xbc: {  	s19 =	simm.s32 $0x2;
	[tilespmem:$0x1FD50] =	vst v4;
	v30 =	vld.idx.msk [tilespmem:v0+s10+$0x0], $0xffff;
	v6 =	vimm.f32 $0.0e+00;
	v20 =	vimm.f32 $0.0e+00;
	v19 =	vimm.f32 $0.0e+00  }
.LBB2_3:
0xbd: {  	v0 =	vld [tilespmem:$0x1FC30];
	_ =	sdelay $0x3  }
0xbe: {  	v40 =	vand.u32 $0x3F, v39  }
0xbf: {  	v16 =	vadd.f32 v38, v16;
	v38 =	vadd.s32 v0, v40;
	v0 =	vld [tilespmem:$0x1FC40];
	_ =	sdelay $0x4  }
0xc0: {  	v42 =	vadd.s32 v0, v40;
	v0 =	vld [tilespmem:$0x1FC20];
	_ =	sdelay $0x4  }
0xc1: {  	v56 =	vadd.s32 v0, v40;
	v0 =	vld [tilespmem:$0x1FC50];
	_ =	sdelay $0x3  }
0xc2: {  	v43 =	vld.idx.msk [tilespmem:v34+s10+$0x0], $0xffff  }
0xc3: {  	v34 =	vadd.s32 v0, v40;
	v0 =	vld [tilespmem:$0x1FC60];
	_ =	sdelay $0x3  }
0xc4: {  	v55 =	vand.u32 $0x7, v39;
	v39 =	vld.idx.msk [tilespmem:v36+s10+$0x0], $0xffff  }
0xc5: {  	v36 =	vadd.s32 v0, v40;
	v0 =	vld [tilespmem:$0x1FC70];
	_ =	sdelay $0x4  }
0xc6: {  	v45 =	vadd.s32 v0, v40;
	v0 =	vld [tilespmem:$0x1FC80];
	_ =	sdelay $0x4  }
0xc7: {  	v46 =	vadd.s32 v0, v40;
	v0 =	vld [tilespmem:$0x1FC90];
	_ =	sdelay $0x4  }
0xc8: {  	v47 =	vadd.s32 v0, v40;
	v0 =	vld [tilespmem:$0x1FCA0];
	_ =	sdelay $0x4  }
0xc9: {  	v49 =	vadd.s32 v0, v40;
	v0 =	vld [tilespmem:$0x1FCB0];
	_ =	sdelay $0x4  }
0xca: {  	v50 =	vadd.s32 v0, v40;
	v0 =	vld [tilespmem:$0x1FCC0];
	_ =	sdelay $0x4  }
0xcb: {  	v51 =	vadd.s32 v0, v40;
	v0 =	vld [tilespmem:$0x1FCD0];
	_ =	sdelay $0x4  }
0xcc: {  	v52 =	vadd.s32 v0, v40;
	v0 =	vld [tilespmem:$0x1FCE0];
	_ =	sdelay $0x3  }
0xcd: {  	v53 =	vor.u32 v57, v40  }
0xce: {  	v54 =	vand.u32 $0x78, v53;
	v53 =	vadd.s32 v0, v40;
	v0 =	vld [tilespmem:$0x1FCF0];
	_ =	sdelay $0x4  }
0xcf: {  	v57 =	vor.u32 v54, v55;
	v54 =	vadd.s32 v0, v40;
	v0 =	vld [tilespmem:$0x1FD00];
	_ =	sdelay $0x4  }
0xd0: {  	v55 =	vadd.s32 v0, v40;
	v0 =	vld [tilespmem:$0x1FD10];
	_ =	sdelay $0x3  }
0xd1: {  	v41 =	vld.idx.msk [tilespmem:v35+s10+$0x0], $0xffff  }
0xd2: {  	v35 =	vadd.s32 v60, v56;
	v56 =	vadd.s32 v0, v40;
	v0 =	vld [tilespmem:$0x1FD20];
	_ =	sdelay $0x3  }
0xd3: {  	v44 =	vld.idx.msk [tilespmem:v33+s10+$0x0], $0xffff  }
0xd4: {  	v33 =	vor.u32 v58, v57;
	v57 =	vadd.s32 v0, v40;
	v0 =	vld [tilespmem:$0x1FD30];
	_ =	sdelay $0x4  }
0xd5: {  	v2 =	vmov v58;
	v58 =	vadd.s32 v0, v40;
	v0 =	vld [tilespmem:$0x1FD40];
	_ =	sdelay $0x3  }
0xd6: {  	v1 =	vmov v60;
	v60 =	vld.idx.msk [tilespmem:v33+s14+$0x0], $0xffff  }
0xd7: {  	v33 =	vadd.s32 v0, v40;
	v0 =	vld [tilespmem:$0x1FD50];
	_ =	sdelay $0x4  }
0xd8: {  	v13 =	vadd.s32 v0, v40;
	v0 =	vld [tilespmem:$0x1FD60];
	_ =	sdelay $0x3  }
0xd9: {  	v4 =	vld [tilespmem:$0x1FF20]  }
0xda: {  	v40 =	vadd.s32 v0, v40;
	v0 =	vld [tilespmem:$0x1FF10];
	_ =	sdelay $0x3  }
0xdb: {  	v8 =	vmov v59;
	v59 =	vld.idx.msk [tilespmem:v35+s10+$0x0], $0xffff;
	v35 =	vadd.s32 v63, v38  }
0xdc: {  	v38 =	vadd.s32 v62, v42;
	v42 =	vadd.s32 v0, v34;
	v0 =	vmovc v62;
	v62 =	vadd.s32 v4, v36;
	v4 =	vld [tilespmem:$0x1FF30];
	_ =	sdelay $0x4  }
0xdd: {  	v45 =	vadd.s32 v4, v45;
	v4 =	vld [tilespmem:$0x1FF40];
	_ =	sdelay $0x4  }
0xde: {  	v46 =	vadd.s32 v4, v46;
	v4 =	vld [tilespmem:$0x1FF50];
	_ =	sdelay $0x4  }
0xdf: {  	v47 =	vadd.s32 v4, v47;
	v4 =	vld [tilespmem:$0x1FF60];
	_ =	sdelay $0x4  }
0xe0: {  	v49 =	vadd.s32 v4, v49;
	v4 =	vld [tilespmem:$0x1FF70];
	_ =	sdelay $0x4  }
0xe1: {  	v50 =	vadd.s32 v4, v50;
	v4 =	vld [tilespmem:$0x1FF80];
	_ =	sdelay $0x4  }
0xe2: {  	v51 =	vadd.s32 v4, v51;
	v4 =	vld [tilespmem:$0x1FF90];
	_ =	sdelay $0x4  }
0xe3: {  	v52 =	vadd.s32 v4, v52;
	v4 =	vld [tilespmem:$0x1FFA0];
	_ =	sdelay $0x4  }
0xe4: {  	v53 =	vadd.s32 v4, v53;
	v4 =	vld [tilespmem:$0x1FFB0];
	_ =	sdelay $0x4  }
0xe5: {  	v54 =	vadd.s32 v4, v54;
	v4 =	vld [tilespmem:$0x1FFC0]  }
0xe6: {  	v36 =	vld [tilespmem:$0x1FFE0];
	_ =	sdelay $0x3  }
0xe7: {  	v55 =	vadd.s32 v4, v55;
	v4 =	vld [tilespmem:$0x1FFD0]  }
0xe8: {  	v57 =	vadd.s32 v36, v57;
	v36 =	vld [tilespmem:$0x1FFF0];
	_ =	sdelay $0x1  }
0xe9: {  	v37 =	vmul.f32 v37, v3;
	v38 =	vld.idx.msk [tilespmem:v38+s10+$0x0], $0xffff  }
0xea: {  	v26 =	vadd.f32 v32, v26;
	v27 =	vmul.f32 v27, v3;
	v31 =	vmul.f32 v31, v3;
	v32 =	vld.idx.msk [tilespmem:v45+s10+$0x0], $0xffff  }
0xeb: {  	v28 =	vmul.f32 v28, v3;
	v56 =	vadd.s32 v4, v56;
	v4 =	vmov v63;
	v63 =	vld.idx.msk [tilespmem:v35+s10+$0x0], $0xffff  }
0xec: {  	v34 =	vadd.s32 v8, v33;
	v35 =	vadd.s32 v36, v58;
	v58 =	vmul.f32 v59, v60;
	v59 =	vmovc v8;
	v8 =	vld [tilespmem:$0x1FF00]  }
0xed: {  	v29 =	vmul.f32 v29, v3;
	v24 =	vadd.f32 v37, v24;
	v37 =	vmul.f32 v41, v3;
	v41 =	vld.idx.msk [tilespmem:v46+s10+$0x0], $0xffff  }
0xee: {  	v6 =	vadd.f32 v27, v6;
	v27 =	vmul.f32 v43, v3;
	v43 =	vmul.f32 v44, v3;
	v44 =	vld.idx.msk [tilespmem:v47+s10+$0x0], $0xffff  }
0xef: {  	v30 =	vmul.f32 v30, v3;
	v3 =	vmul.f32 v39, v3;
	v22 =	vadd.f32 v31, v22;
	v49 =	vld.idx.msk [tilespmem:v49+s10+$0x0], $0xffff  }
0xf0: {  	v25 =	vadd.f32 v28, v25;
	v23 =	vadd.f32 v29, v23;
	v50 =	vld.idx.msk [tilespmem:v50+s10+$0x0], $0xffff  }
0xf1: {  	v21 =	vadd.f32 v30, v21;
	v20 =	vadd.f32 v37, v20;
	v36 =	vadd.s32 v8, v40;
	v40 =	vld.idx.msk [tilespmem:v42+s10+$0x0], $0xffff  }
0xf2: {  	v19 =	vadd.f32 v27, v19;
	v18 =	vadd.f32 v43, v18;
	v28 =	vmul.f32 v38, v60;
	v42 =	vld.idx.msk [tilespmem:v62+s10+$0x0], $0xffff  }
0xf3: {  	v17 =	vadd.f32 v3, v17;
	v3 =	vmov v60;
	v30 =	vmul.f32 v41, v60;
	v37 =	vld.idx.msk [tilespmem:v52+s10+$0x0], $0xffff  }
0xf4: {  	v14 =	vadd.f32 v28, v14;
	v52 =	vmul.f32 v44, v60;
	v27 =	vld.idx.msk [tilespmem:v53+s10+$0x0], $0xffff;
	v53 =	vmul.f32 v49, v60  }
0xf5: {  	p0 =	sne.s32 s19, $0x3F;
	v33 =	vadd.s32 v61, v13;
	v9 =	vadd.f32 v30, v9;
	v51 =	vld.idx.msk [tilespmem:v51+s10+$0x0], $0xffff;
	v38 =	vmul.f32 v50, v3  }
.Ltmp0:
0xf6: {  	v30 =	vld.idx.msk [tilespmem:v57+s10+$0x0], $0xffff;
	v5 =	vadd.f32 v52, v5;
	v7 =	vadd.f32 v53, v7;
	v29 =	vmul.f32 v40, v60;
	(pc) =	sbr.rel @p0 .LBB2_3-.Ltmp0, $4  }
0xf7: {  	v57 =	vld [tilespmem:$0x1FEF0];
	v48 =	vadd.f32 v58, v48;
	v45 =	vmul.f32 v63, v60;
	v28 =	vmul.f32 v42, v60  }
0xf8: {  	v58 =	vmov v2;
	v31 =	vld.idx.msk [tilespmem:v56+s10+$0x0], $0xffff;
	v12 =	vadd.f32 v29, v12;
	v29 =	vmul.f32 v32, v60  }
0xf9: {  	v62 =	vmovc v0;
	v63 =	vmovc v4;
	v56 =	vlaneseq.u32;
	v15 =	vadd.f32 v45, v15;
	v11 =	vadd.f32 v28, v11;
	v28 =	vld.idx.msk [tilespmem:v54+s10+$0x0], $0xffff  }
0xfa: {  	v39 =	vadd.s32 s19, v56;
	s19 =	sadd.s32 $0x1, s19;
	v60 =	vmovc v1;
	v32 =	vmul.f32 v51, v3;
	v10 =	vadd.f32 v29, v10;
	v29 =	vld.idx.msk [tilespmem:v55+s10+$0x0], $0xffff  }
0xfb: {  	v0 =	vld [tilespmem:$0x1FC20]  }
0xfc: {  	v4 =	vld [tilespmem:$0x1FC30]  }
0xfd: {  	v43 =	vld [tilespmem:$0x1FC40]  }
0xfe: {  	v44 =	vld [tilespmem:$0x1FC50]  }
0xff: {  	v45 =	vld.idx.msk [tilespmem:v36+s10+$0x0], $0xffff  }
0x100: {  	v46 =	vld [tilespmem:$0x1FC60]  }
0x101: {  	v47 =	vld [tilespmem:$0x1FF10]  }
0x102: {  	v50 =	vld [tilespmem:$0x1FC70]  }
0x103: {  	v52 =	vld [tilespmem:$0x1FF20]  }
0x104: {  	v53 =	vld [tilespmem:$0x1FC80]  }
0x105: {  	v54 =	vld [tilespmem:$0x1FC90]  }
0x106: {  	v40 =	vand.u32 $0x3F, v39;
	v36 =	vld [tilespmem:$0x1FCB0]  }
0x107: {  	v49 =	vadd.f32 v38, v16;
	v38 =	vld [tilespmem:$0x1FF40];
	v41 =	vor.u32 v57, v40  }
0x108: {  	v55 =	vand.u32 $0x7, v39;
	v1 =	vld [tilespmem:$0x1FD30];
	v41 =	vand.u32 $0x78, v41  }
0x109: {  	v2 =	vld [tilespmem:$0x1FD40];
	v39 =	vor.u32 v41, v55  }
0x10a: {  	v55 =	vld [tilespmem:$0x1FF30];
	v39 =	vor.u32 v58, v39  }
0x10b: {  	v8 =	vadd.s32 v4, v40;
	v4 =	vld [tilespmem:$0x1FCA0]  }
0x10c: {  	v42 =	vadd.s32 v43, v40;
	[tilespmem:$0x1FBF0] =	vst v45;
	v45 =	vadd.s32 v50, v40;
	v50 =	vld [tilespmem:$0x1FCC0]  }
0x10d: {  	v43 =	vadd.s32 v44, v40;
	v44 =	vadd.s32 v46, v40;
	v46 =	vadd.s32 v53, v40;
	v53 =	vld [tilespmem:$0x1FCE0]  }
0x10e: {  	[tilespmem:$0x1FC00] =	vst v49;
	v13 =	vadd.s32 v0, v40;
	v49 =	vadd.s32 v36, v40;
	v36 =	vld [tilespmem:$0x1FF70]  }
0x10f: {  	v13 =	vadd.s32 v60, v13;
	v16 =	vld.idx.msk [tilespmem:v39+s14+$0x0], $0xffff  }
0x110: {  	v39 =	vadd.s32 v55, v45;
	v55 =	vld [tilespmem:$0x1FF60]  }
0x111: {  	v44 =	vadd.s32 v52, v44;
	v52 =	vld [tilespmem:$0x1FF50]  }
0x112: {  	v43 =	vadd.s32 v47, v43;
	v47 =	vadd.s32 v54, v40;
	v54 =	vld [tilespmem:$0x1FCF0]  }
0x113: {  	v41 =	vadd.s32 v63, v8;
	v8 =	vadd.s32 v4, v40;
	v4 =	vld [tilespmem:$0x1FD00]  }
0x114: {  	v51 =	vld.idx.msk [tilespmem:v13+s10+$0x0], $0xffff  }
0x115: {  	v45 =	vadd.s32 v55, v8;
	v8 =	vld [tilespmem:$0x1FD10]  }
0x116: {  	v46 =	vadd.s32 v38, v46;
	v38 =	vld [tilespmem:$0x1FD20]  }
0x117: {  	v47 =	vadd.s32 v52, v47;
	v13 =	vld [tilespmem:$0x1FFA0]  }
0x118: {  	v52 =	vadd.s32 v53, v40;
	v53 =	vadd.s32 v54, v40;
	v54 =	vadd.s32 v4, v40;
	v4 =	vld [tilespmem:$0x1FD50]  }
0x119: {  	[tilespmem:$0x1FC10] =	vst v51;
	v51 =	vld [tilespmem:$0x1FCD0]  }
0x11a: {  	v55 =	vadd.s32 v8, v40;
	v8 =	vld [tilespmem:$0x1FD60]  }
0x11b: {  	v35 =	vld.idx.msk [tilespmem:v35+s10+$0x0], $0xffff  }
0x11c: {  	v34 =	vld.idx.msk [tilespmem:v34+s10+$0x0], $0xffff;
	v42 =	vadd.s32 v62, v42  }
0x11d: {  	v33 =	vld.idx.msk [tilespmem:v33+s10+$0x0], $0xffff;
	v1 =	vadd.s32 v1, v40;
	v2 =	vadd.s32 v2, v40;
	v50 =	vadd.s32 v50, v40  }
0x11e: {  	v49 =	vadd.s32 v36, v49;
	v36 =	vld [tilespmem:$0x1FF90];
	v0 =	vadd.s32 v38, v40;
	v4 =	vadd.s32 v4, v40  }
0x11f: {  	v51 =	vadd.s32 v51, v40;
	v8 =	vadd.s32 v8, v40;
	v40 =	vadd.s32 v13, v52;
	v52 =	vld [tilespmem:$0x1FFB0]  }
0x120: {  	v41 =	vld.idx.msk [tilespmem:v41+s10+$0x0], $0xffff  }
0x121: {  	v42 =	vld.idx.msk [tilespmem:v42+s10+$0x0], $0xffff  }
0x122: {  	v2 =	vadd.s32 v59, v2;
	v43 =	vld.idx.msk [tilespmem:v43+s10+$0x0], $0xffff  }
0x123: {  	v44 =	vld.idx.msk [tilespmem:v44+s10+$0x0], $0xffff  }
0x124: {  	v26 =	vadd.f32 v32, v26;
	v32 =	vadd.s32 v52, v53;
	v53 =	vld [tilespmem:$0x1FFC0]  }
0x125: {  	v38 =	vld [tilespmem:$0x1FF80];
	v51 =	vadd.s32 v36, v51  }
0x126: {  	v46 =	vld.idx.msk [tilespmem:v46+s10+$0x0], $0xffff  }
0x127: {  	v37 =	vmul.f32 v37, v3;
	v2 =	vld.idx.msk [tilespmem:v2+s10+$0x0], $0xffff  }
0x128: {  	v28 =	vmul.f32 v28, v3;
	v39 =	vld.idx.msk [tilespmem:v39+s10+$0x0], $0xffff  }
0x129: {  	v24 =	vadd.f32 v37, v24;
	v37 =	vadd.s32 v53, v54;
	v54 =	vld [tilespmem:$0x1FFD0]  }
0x12a: {  	v25 =	vadd.f32 v28, v25;
	v28 =	vmul.f32 v31, v3;
	v31 =	vld.idx.msk [tilespmem:v51+s10+$0x0], $0xffff  }
0x12b: {  	v51 =	vld [tilespmem:$0x1FFF0]  }
0x12c: {  	v27 =	vmul.f32 v27, v3;
	v49 =	vld.idx.msk [tilespmem:v49+s10+$0x0], $0xffff  }
0x12d: {  	v22 =	vadd.f32 v28, v22;
	v28 =	vmul.f32 v30, v3;
	v30 =	vld.idx.msk [tilespmem:v32+s10+$0x0], $0xffff  }
0x12e: {  	v6 =	vadd.f32 v27, v6;
	v29 =	vmul.f32 v29, v3;
	v27 =	vadd.s32 v54, v55;
	v55 =	vld [tilespmem:$0x1FFE0]  }
0x12f: {  	v21 =	vadd.f32 v28, v21;
	v28 =	vmul.f32 v35, v3;
	v32 =	vld.idx.msk [tilespmem:v37+s10+$0x0], $0xffff  }
0x130: {  	v23 =	vadd.f32 v29, v23;
	v1 =	vadd.s32 v51, v1;
	v37 =	vld [tilespmem:$0x1FF00]  }
0x131: {  	v20 =	vadd.f32 v28, v20;
	v50 =	vadd.s32 v38, v50;
	v47 =	vld.idx.msk [tilespmem:v47+s10+$0x0], $0xffff;
	v29 =	vmul.f32 v41, v16  }
0x132: {  	v28 =	vmul.f32 v33, v3;
	v41 =	vmul.f32 v43, v16;
	v43 =	vld [tilespmem:$0x1FBF0];
	v4 =	vadd.s32 v61, v4  }
0x133: {  	v15 =	vadd.f32 v29, v15;
	v29 =	vmul.f32 v42, v16;
	v45 =	vld.idx.msk [tilespmem:v45+s10+$0x0], $0xffff  }
0x134: {  	v18 =	vadd.f32 v28, v18;
	v28 =	vmul.f32 v46, v16;
	v40 =	vld.idx.msk [tilespmem:v40+s10+$0x0], $0xffff;
	v0 =	vadd.s32 v55, v0  }
0x135: {  	v14 =	vadd.f32 v29, v14;
	v29 =	vmul.f32 v34, v3;
	v1 =	vld.idx.msk [tilespmem:v1+s10+$0x0], $0xffff;
	v8 =	vadd.s32 v37, v8  }
0x136: {  	v42 =	vmul.f32 v44, v16;
	v12 =	vadd.f32 v41, v12;
	v50 =	vld.idx.msk [tilespmem:v50+s10+$0x0], $0xffff  }
0x137: {  	v9 =	vadd.f32 v28, v9;
	v19 =	vadd.f32 v29, v19;
	v29 =	vmul.f32 v39, v16;
	v4 =	vld.idx.msk [tilespmem:v4+s10+$0x0], $0xffff  }
0x138: {  	s19 =	sshll.u32 s18, $0x4;
	v11 =	vadd.f32 v42, v11;
	v12 =	vsub.f32 $0.0e+00, v12;
	v27 =	vld.idx.msk [tilespmem:v27+s10+$0x0], $0xffff  }
0x139: {  	s19 =	sand.u32 $0x1F0, s19;
	v2 =	vmul.f32 v2, v16;
	v14 =	vsub.f32 $0.0e+00, v14;
	v10 =	vadd.f32 v29, v10;
	v0 =	vld.idx.msk [tilespmem:v0+s10+$0x0], $0xffff  }
0x13a: {  	v9 =	vsub.f32 $0.0e+00, v9;
	v33 =	vmul.f32 v40, v16;
	v1 =	vmul.f32 v1, v16;
	v8 =	vld.idx.msk [tilespmem:v8+s10+$0x0], $0xffff;
	[tilespmem:s19+$0x10C00] =	vst v15  }
0x13b: {  	v44 =	vmul.f32 v43, v3;
	v11 =	vsub.f32 $0.0e+00, v11;
	v10 =	vsub.f32 $0.0e+00, v10;
	[tilespmem:s19+$0x10E00] =	vst v14  }
0x13c: {  	v6 =	vadd.f32 v33, v6;
	v1 =	vadd.f32 v1, v20;
	[tilespmem:s19+$0x11000] =	vst v12  }
0x13d: {  	v3 =	vadd.f32 v44, v17;
	v2 =	vadd.f32 v2, v19;
	v15 =	vmul.f32 v47, v16;
	[tilespmem:s19+$0x11200] =	vst v11  }
0x13e: {  	v6 =	vsub.f32 $0.0e+00, v6;
	v1 =	vsub.f32 $0.0e+00, v1;
	v14 =	vmul.f32 v45, v16;
	[tilespmem:s19+$0x11400] =	vst v10  }
0x13f: {  	v12 =	vmul.f32 v49, v16;
	v49 =	vmul.f32 v50, v16;
	[tilespmem:s19+$0x11600] =	vst v9;
	v5 =	vadd.f32 v15, v5  }
0x140: {  	v46 =	vsub.f32 $0.0e+00, v2;
	v50 =	vmul.f32 v31, v16;
	[tilespmem:s19+$0x12200] =	vst v6;
	v7 =	vadd.f32 v14, v7  }
0x141: {  	v40 =	vmul.f32 v27, v16;
	[tilespmem:s19+$0x12C00] =	vst v1;
	v14 =	vld [tilespmem:$0x1FC00];
	v11 =	vadd.f32 v49, v26;
	v5 =	vsub.f32 $0.0e+00, v5  }
0x142: {  	v34 =	vmul.f32 v30, v16;
	[tilespmem:s19+$0x12E00] =	vst v46;
	v10 =	vadd.f32 v50, v24;
	v7 =	vsub.f32 $0.0e+00, v7  }
0x143: {  	v35 =	vmul.f32 v32, v16;
	v45 =	vld [tilespmem:$0x1FC10];
	v41 =	vadd.f32 v40, v22;
	v39 =	vsub.f32 $0.0e+00, v11;
	[tilespmem:s19+$0x11800] =	vst v5  }
0x144: {  	v10 =	vsub.f32 $0.0e+00, v10;
	[tilespmem:s19+$0x11A00] =	vst v7;
	v5 =	vadd.f32 v34, v25  }
0x145: {  	v43 =	vsub.f32 $0.0e+00, v41;
	v0 =	vmul.f32 v0, v16;
	v7 =	vadd.f32 v35, v23;
	[tilespmem:s19+$0x11E00] =	vst v39  }
0x146: {  	v44 =	vmul.f32 v8, v16;
	[tilespmem:s19+$0x12000] =	vst v10;
	v12 =	vadd.f32 v12, v14;
	v5 =	vsub.f32 $0.0e+00, v5  }
0x147: {  	v4 =	vmul.f32 v4, v16;
	[tilespmem:s19+$0x12800] =	vst v43;
	v0 =	vadd.f32 v0, v21;
	v42 =	vsub.f32 $0.0e+00, v7  }
0x148: {  	s18 =	sadd.s32 $0x1, s18;
	v19 =	vld [tilespmem:$0x1FF20];
	v3 =	vadd.f32 v44, v3;
	v7 =	vmul.f32 v45, v16;
	v12 =	vsub.f32 $0.0e+00, v12;
	[tilespmem:s19+$0x12400] =	vst v5  }
0x149: {  	p0 =	sne.s32 s18, $0x20;
	v29 =	vld [tilespmem:$0x1FF70];
	v4 =	vadd.f32 v4, v18;
	v0 =	vsub.f32 $0.0e+00, v0;
	[tilespmem:s19+$0x12600] =	vst v42  }
.Ltmp1:
0x14a: {  	v15 =	vld [tilespmem:$0x1FF10];
	v49 =	vsub.f32 $0.0e+00, v3;
	v47 =	vadd.f32 v7, v48;
	[tilespmem:s19+$0x11C00] =	vst v12;
	(pc) =	sbr.rel @p0 .LBB2_2-.Ltmp1, $4  }
0x14b: {  	v22 =	vld [tilespmem:$0x1FF40];
	v48 =	vsub.f32 $0.0e+00, v4;
	[tilespmem:s19+$0x12A00] =	vst v0  }
0x14c: {  	v24 =	vld [tilespmem:$0x1FF50];
	[tilespmem:s19+$0x13200] =	vst v49;
	v50 =	vsub.f32 $0.0e+00, v47  }
0x14d: {  	v33 =	vmovc v52;
	v30 =	vmov v38;
	v38 =	vmov v51;
	v32 =	vmov v13;
	v26 =	vld [tilespmem:$0x1FF60];
	[tilespmem:s19+$0x13000] =	vst v48  }
0x14e: {  	v13 =	vmovc v37;
	v31 =	vmovc v36;
	v36 =	vmov v55;
	v34 =	vmov v53;
	v35 =	vmov v54;
	v21 =	vld [tilespmem:$0x1FF30];
	[tilespmem:s19+$0x13400] =	vst v50  }
0x14f: {  	s17 =	sadd.s32 $0x1, s17  }
0x150: {  	p0 =	sne.s32 s17, s7  }
.Ltmp2:
0x151: {  	_ = 	snop;
	(pc) =	sbr.rel @p0 .LBB2_1-.Ltmp2, $4  }
0x152: {  	[hbm4b:s6+s2] =	stream.linear.scatter [tilespmem:s16], [sflag:$0x2], $0x2A00, $0x38;
	[tilespmem:$0x13600] =	vst v63  }
0x153: {  	_ =	swait.ge [sflag:s8], $0x2A00  }
0x154: {  	[sflag:s8] =	ssyncset.done $0x0  }
0x155: {  	[sflag:s8] =	ssyncadd.s32 $0xFFFFD600  }
0x156: {  	_ =	sfence.sel $0x180000  }
0x157: {  	[bflag:$0x0] =	sbarrier.arrive $0xFFFF  }
0x158: {  	p0 =	sne.s32 s0, $0x0;
	_ =	strace $0x90000047  }
0x159: {  	s0 =	sadd.s32 @!p0 $0x100000, s1;
	[bflag:$0x2] =	sbarrier.arrive $0xFFFF  }
0x15a: {  	[sflag:s0] =	ssyncadd.tile.s32 @!p0 $0x1;
	_ =	shalt  }
.Lfunc_end2:
_tile_overlayer_lowered:
.L_overlay_start_2:
0x15b: {  	(tag) =	ssettag $0x2  }
0x15c: {  	s0 =	rddreg [dreg:$0x0];
	s2 =	stileid.u32  }
0x15d: {  	s1 =	rddreg [dreg:$0x1];
	p0 =	sne.s32 s2, $0x0  }
0x15e: {  	s3 =	rddreg [dreg:$0x2];
	[bflag:$0x3] =	sbarrier.arrive $0xFFFF;
	s2 =	simm.s32 @!p0 $0x1C02  }
0x15f: {  	[timem:s3], [sflag:s2] =	dma.local @!p0 [hbm:s0], s1  }
0x160: {  	s0 =	simm.s32 @!p0 $0x2  }
0x161: {  	_ =	swait.ge @!p0 [sflag:s0], s1  }
0x162: {  	s1 =	ssub.s32 @!p0 $0x0, s1;
	[sflag:s0] =	ssyncset.done @!p0 $0x0  }
0x163: {  	[sflag:s0] =	ssyncadd.s32 @!p0 s1  }
0x164: {  	[bflag:$0x3] =	sbarrier.arrive $0xFFFF  }
0x165: {  	_ =	shalt  }

</sc_bundles>
